<compile_context>
chip_gen: v7x
topology: tpu7x:2x2x1
jax: 0.10.2.dev20260603
libtpu: 0.0.44.dev20260713+nightly
codegen_flags: <defaults>
</compile_context>

<pallas_src>
import functools

import jax
import jax.numpy as jnp
from jax import lax
from jax.experimental import pallas as pl
from jax.experimental.pallas import tpu as pltpu
from jax.experimental.pallas import tpu_sc as plsc


def _make_gather(N, V, D, n_workers, chunk, nbuf=3):
    nchunk = N // (n_workers * chunk)
    b_per_w = N // n_workers
    mesh = plsc.VectorSubcoreMesh(core_axis_name="c", subcore_axis_name="s")
    info = plsc.get_sparse_core_info()
    nc = info.num_cores

    @functools.partial(
        pl.kernel,
        mesh=mesh,
        out_type=jax.ShapeDtypeStruct((N, D), jnp.float32),
        scratch_types=[
            pltpu.VMEM((nchunk, chunk), jnp.int32),
            pltpu.VMEM((nbuf, chunk, D), jnp.float32),
            pltpu.SemaphoreType.DMA((nchunk,)),
            pltpu.SemaphoreType.DMA((nbuf,)),
            pltpu.SemaphoreType.DMA((nbuf,)),
        ],
        compiler_params=pltpu.CompilerParams(use_tc_tiling_on_sc=False),
    )
    def gather_kernel(table_hbm, idx_hbm, out_hbm, idx_v, rows_v, idx_sem,
                      gat_sem, out_sem):
        wid = lax.axis_index("s") * nc + lax.axis_index("c")
        base = wid * b_per_w

        idx_cps = []
        for j in range(nchunk):
            cp = pltpu.make_async_copy(
                idx_hbm.at[pl.ds(base + j * chunk, chunk)], idx_v.at[j],
                idx_sem.at[j])
            cp.start()
            idx_cps.append(cp)

        gat_cps = [None] * nbuf
        out_cps = [None] * nbuf
        for j in range(nchunk):
            slot = j % nbuf
            if out_cps[slot] is not None:
                out_cps[slot].wait()
                out_cps[slot] = None
            idx_cps[j].wait()
            cp = pltpu.make_async_copy(
                table_hbm.at[idx_v.at[j]], rows_v.at[slot], gat_sem.at[slot])
            cp.start()
            gat_cps[slot] = cp
            prev = (j - 1) % nbuf
            if j >= 1 and gat_cps[prev] is not None:
                gat_cps[prev].wait()
                gat_cps[prev] = None
                ocp = pltpu.make_async_copy(
                    rows_v.at[prev],
                    out_hbm.at[pl.ds(base + (j - 1) * chunk, chunk)],
                    out_sem.at[prev])
                ocp.start()
                out_cps[prev] = ocp

        last = (nchunk - 1) % nbuf
        gat_cps[last].wait()
        ocp = pltpu.make_async_copy(
            rows_v.at[last],
            out_hbm.at[pl.ds(base + (nchunk - 1) * chunk, chunk)],
            out_sem.at[last])
        ocp.start()
        out_cps[last] = ocp
        for cp in out_cps:
            if cp is not None:
                cp.wait()

    return gather_kernel


def kernel(word_indexes, W):
    B, L = word_indexes.shape
    V, D = W.shape
    N = B * L
    idx = word_indexes.reshape(N).astype(jnp.int32)
    out = _make_gather(N, V, D, n_workers=32, chunk=1024)(W, idx)
    return out.reshape(B, L, D)

# --- scband reference (transcript-rebuilt; emitter-appended) ---
"""Pipeline reference for scband-embedding-32358283608308 (READ-ONLY COPY).

The authoritative reference and input builder live on the scoring server;
editing this copy changes nothing except your own understanding.
"""

import jax, jax.numpy as jnp
import numpy as np

V = 1000000
D = 32
B = 16384
L = 20

def setup_inputs(seed: int = 0) -> dict:
    key = jax.random.key(seed)
    k_w, k_idx = jax.random.split(key)
    W = jax.random.uniform(k_w, (V, D), dtype=jnp.float32, minval=-1.0, maxval=1.0)
    word_indexes = jax.random.randint(k_idx, (B, L), 0, V, dtype=jnp.int64 if jax.config.jax_enable_x64 else jnp.int32)
    return {"word_indexes": word_indexes, "W": W}

def reference(word_indexes, W):
    # tf.nn.embedding_lookup(W, word_indexes) -> gather rows of W
    return jnp.take(W, word_indexes, axis=0)

if __name__ == "__main__":
    import jax
    _d = setup_inputs()
    print(jax.jit(kernel)(*tuple(_d.values())))

</pallas_src>

<mosaic_0001>
#map = affine_map<(d0, d1) -> (0, 0)>
#map1 = affine_map<(d0, d1) -> (0)>
module attributes {stable_mosaic.version = 14 : i64} {
  func.func @gather_kernel(%arg0: i32, %arg1: i32, %arg2: memref<1000000x32xf32, #tpu.memory_space<hbm>>, %arg3: memref<327680xi32, #tpu.memory_space<hbm>>, %arg4: memref<327680x32xf32, #tpu.memory_space<hbm>>, %arg5: memref<10x1024xi32, #tpu.memory_space<vmem>>, %arg6: memref<3x1024x32xf32, #tpu.memory_space<vmem>>, %arg7: memref<10x!tpu.dma_semaphore, #tpu.memory_space<semaphore_mem>>, %arg8: memref<3x!tpu.dma_semaphore, #tpu.memory_space<semaphore_mem>>, %arg9: memref<3x!tpu.dma_semaphore, #tpu.memory_space<semaphore_mem>>) attributes {dimension_semantics = [#tpu.dimension_semantics<core_parallel>, #tpu.dimension_semantics<subcore_parallel>], iteration_bounds = array<i64: 2, 16>, scalar_prefetch = 0 : i64, scratch_operands = 5 : i64, tpu.core_type = #tpu.core_type<sc_vector_subcore>, window_params = [{transform_indices = #map}, {transform_indices = #map1}, {transform_indices = #map}]} {
    %mul3A = arith.constant 2 : i32
    %mul3A_0 = arith.muli %arg1, %mul3A : i32
    %add3A = arith.addi %mul3A_0, %arg0 : i32
    %mul3A_1 = arith.constant 10240 : i32
    %mul3A_2 = arith.muli %add3A, %mul3A_1 : i32
    %add3A_3 = arith.constant 0 : i32
    %add3A_4 = arith.addi %mul3A_2, %add3A_3 : i32
    %dma_start3A = arith.constant 0 : i32
    %dma_start3A_5 = arith.constant 0 : i32
    %dma_start3A_6 = arith.constant 0 : i32
    %dma_start3A_7 = tpu.memref_slice %arg5[%dma_start3A, %dma_start3A_6] : memref<10x1024xi32, #tpu.memory_space<vmem>> -> memref<1x1024xi32, #tpu.memory_space<vmem>>
    %dma_start3A_8 = tpu.memref_squeeze %dma_start3A_7 : memref<1x1024xi32, #tpu.memory_space<vmem>> -> memref<1024xi32, #tpu.memory_space<vmem>>
    %dma_start3A_9 = tpu.memref_slice %arg3[%add3A_4] : memref<327680xi32, #tpu.memory_space<hbm>> -> memref<1024xi32, #tpu.memory_space<hbm>>
    %dma_start3A_10 = tpu.memref_slice %arg7[%dma_start3A_5] : memref<10x!tpu.dma_semaphore, #tpu.memory_space<semaphore_mem>> -> memref<1x!tpu.dma_semaphore, #tpu.memory_space<semaphore_mem>>
    %dma_start3A_11 = tpu.memref_squeeze %dma_start3A_10 : memref<1x!tpu.dma_semaphore, #tpu.memory_space<semaphore_mem>> -> memref<!tpu.dma_semaphore, #tpu.memory_space<semaphore_mem>>
    %dma_start3A_12 = arith.constant 0 : i32
    %dma_start3A_13 = tpu.memref_slice %arg5[%dma_start3A, %dma_start3A_12] : memref<10x1024xi32, #tpu.memory_space<vmem>> -> memref<1x1024xi32, #tpu.memory_space<vmem>>
    %dma_start3A_14 = tpu.memref_squeeze %dma_start3A_13 : memref<1x1024xi32, #tpu.memory_space<vmem>> -> memref<1024xi32, #tpu.memory_space<vmem>>
    %dma_start3A_15 = tpu.memref_slice %arg3[%add3A_4] : memref<327680xi32, #tpu.memory_space<hbm>> -> memref<1024xi32, #tpu.memory_space<hbm>>
    tpu.enqueue_dma source(%dma_start3A_15 : memref<1024xi32, #tpu.memory_space<hbm>>) target(%dma_start3A_14 : memref<1024xi32, #tpu.memory_space<vmem>>) target_semaphore(%dma_start3A_11 : memref<!tpu.dma_semaphore, #tpu.memory_space<semaphore_mem>>)
    %add3A_16 = arith.constant 1024 : i32
    %add3A_17 = arith.addi %mul3A_2, %add3A_16 : i32
    %dma_start3A_18 = arith.constant 1 : i32
    %dma_start3A_19 = arith.constant 1 : i32
    %dma_start3A_20 = arith.constant 0 : i32
    %dma_start3A_21 = tpu.memref_slice %arg5[%dma_start3A_18, %dma_start3A_20] : memref<10x1024xi32, #tpu.memory_space<vmem>> -> memref<1x1024xi32, #tpu.memory_space<vmem>>
    %dma_start3A_22 = tpu.memref_squeeze %dma_start3A_21 : memref<1x1024xi32, #tpu.memory_space<vmem>> -> memref<1024xi32, #tpu.memory_space<vmem>>
    %dma_start3A_23 = tpu.memref_slice %arg3[%add3A_17] : memref<327680xi32, #tpu.memory_space<hbm>> -> memref<1024xi32, #tpu.memory_space<hbm>>
    %dma_start3A_24 = tpu.memref_slice %arg7[%dma_start3A_19] : memref<10x!tpu.dma_semaphore, #tpu.memory_space<semaphore_mem>> -> memref<1x!tpu.dma_semaphore, #tpu.memory_space<semaphore_mem>>
    %dma_start3A_25 = tpu.memref_squeeze %dma_start3A_24 : memref<1x!tpu.dma_semaphore, #tpu.memory_space<semaphore_mem>> -> memref<!tpu.dma_semaphore, #tpu.memory_space<semaphore_mem>>
    %dma_start3A_26 = arith.constant 0 : i32
    %dma_start3A_27 = tpu.memref_slice %arg5[%dma_start3A_18, %dma_start3A_26] : memref<10x1024xi32, #tpu.memory_space<vmem>> -> memref<1x1024xi32, #tpu.memory_space<vmem>>
    %dma_start3A_28 = tpu.memref_squeeze %dma_start3A_27 : memref<1x1024xi32, #tpu.memory_space<vmem>> -> memref<1024xi32, #tpu.memory_space<vmem>>
    %dma_start3A_29 = tpu.memref_slice %arg3[%add3A_17] : memref<327680xi32, #tpu.memory_space<hbm>> -> memref<1024xi32, #tpu.memory_space<hbm>>
    tpu.enqueue_dma source(%dma_start3A_29 : memref<1024xi32, #tpu.memory_space<hbm>>) target(%dma_start3A_28 : memref<1024xi32, #tpu.memory_space<vmem>>) target_semaphore(%dma_start3A_25 : memref<!tpu.dma_semaphore, #tpu.memory_space<semaphore_mem>>)
    %add3A_30 = arith.constant 2048 : i32
    %add3A_31 = arith.addi %mul3A_2, %add3A_30 : i32
    %dma_start3A_32 = arith.constant 2 : i32
    %dma_start3A_33 = arith.constant 2 : i32
    %dma_start3A_34 = arith.constant 0 : i32
    %dma_start3A_35 = tpu.memref_slice %arg5[%dma_start3A_32, %dma_start3A_34] : memref<10x1024xi32, #tpu.memory_space<vmem>> -> memref<1x1024xi32, #tpu.memory_space<vmem>>
    %dma_start3A_36 = tpu.memref_squeeze %dma_start3A_35 : memref<1x1024xi32, #tpu.memory_space<vmem>> -> memref<1024xi32, #tpu.memory_space<vmem>>
    %dma_start3A_37 = tpu.memref_slice %arg3[%add3A_31] : memref<327680xi32, #tpu.memory_space<hbm>> -> memref<1024xi32, #tpu.memory_space<hbm>>
    %dma_start3A_38 = tpu.memref_slice %arg7[%dma_start3A_33] : memref<10x!tpu.dma_semaphore, #tpu.memory_space<semaphore_mem>> -> memref<1x!tpu.dma_semaphore, #tpu.memory_space<semaphore_mem>>
    %dma_start3A_39 = tpu.memref_squeeze %dma_start3A_38 : memref<1x!tpu.dma_semaphore, #tpu.memory_space<semaphore_mem>> -> memref<!tpu.dma_semaphore, #tpu.memory_space<semaphore_mem>>
    %dma_start3A_40 = arith.constant 0 : i32
    %dma_start3A_41 = tpu.memref_slice %arg5[%dma_start3A_32, %dma_start3A_40] : memref<10x1024xi32, #tpu.memory_space<vmem>> -> memref<1x1024xi32, #tpu.memory_space<vmem>>
    %dma_start3A_42 = tpu.memref_squeeze %dma_start3A_41 : memref<1x1024xi32, #tpu.memory_space<vmem>> -> memref<1024xi32, #tpu.memory_space<vmem>>
    %dma_start3A_43 = tpu.memref_slice %arg3[%add3A_31] : memref<327680xi32, #tpu.memory_space<hbm>> -> memref<1024xi32, #tpu.memory_space<hbm>>
    tpu.enqueue_dma source(%dma_start3A_43 : memref<1024xi32, #tpu.memory_space<hbm>>) target(%dma_start3A_42 : memref<1024xi32, #tpu.memory_space<vmem>>) target_semaphore(%dma_start3A_39 : memref<!tpu.dma_semaphore, #tpu.memory_space<semaphore_mem>>)
    %add3A_44 = arith.constant 3072 : i32
    %add3A_45 = arith.addi %mul3A_2, %add3A_44 : i32
    %dma_start3A_46 = arith.constant 3 : i32
    %dma_start3A_47 = arith.constant 3 : i32
    %dma_start3A_48 = arith.constant 0 : i32
    %dma_start3A_49 = tpu.memref_slice %arg5[%dma_start3A_46, %dma_start3A_48] : memref<10x1024xi32, #tpu.memory_space<vmem>> -> memref<1x1024xi32, #tpu.memory_space<vmem>>
    %dma_start3A_50 = tpu.memref_squeeze %dma_start3A_49 : memref<1x1024xi32, #tpu.memory_space<vmem>> -> memref<1024xi32, #tpu.memory_space<vmem>>
    %dma_start3A_51 = tpu.memref_slice %arg3[%add3A_45] : memref<327680xi32, #tpu.memory_space<hbm>> -> memref<1024xi32, #tpu.memory_space<hbm>>
    %dma_start3A_52 = tpu.memref_slice %arg7[%dma_start3A_47] : memref<10x!tpu.dma_semaphore, #tpu.memory_space<semaphore_mem>> -> memref<1x!tpu.dma_semaphore, #tpu.memory_space<semaphore_mem>>
    %dma_start3A_53 = tpu.memref_squeeze %dma_start3A_52 : memref<1x!tpu.dma_semaphore, #tpu.memory_space<semaphore_mem>> -> memref<!tpu.dma_semaphore, #tpu.memory_space<semaphore_mem>>
    %dma_start3A_54 = arith.constant 0 : i32
    %dma_start3A_55 = tpu.memref_slice %arg5[%dma_start3A_46, %dma_start3A_54] : memref<10x1024xi32, #tpu.memory_space<vmem>> -> memref<1x1024xi32, #tpu.memory_space<vmem>>
    %dma_start3A_56 = tpu.memref_squeeze %dma_start3A_55 : memref<1x1024xi32, #tpu.memory_space<vmem>> -> memref<1024xi32, #tpu.memory_space<vmem>>
    %dma_start3A_57 = tpu.memref_slice %arg3[%add3A_45] : memref<327680xi32, #tpu.memory_space<hbm>> -> memref<1024xi32, #tpu.memory_space<hbm>>
    tpu.enqueue_dma source(%dma_start3A_57 : memref<1024xi32, #tpu.memory_space<hbm>>) target(%dma_start3A_56 : memref<1024xi32, #tpu.memory_space<vmem>>) target_semaphore(%dma_start3A_53 : memref<!tpu.dma_semaphore, #tpu.memory_space<semaphore_mem>>)
    %add3A_58 = arith.constant 4096 : i32
    %add3A_59 = arith.addi %mul3A_2, %add3A_58 : i32
    %dma_start3A_60 = arith.constant 4 : i32
    %dma_start3A_61 = arith.constant 4 : i32
    %dma_start3A_62 = arith.constant 0 : i32
    %dma_start3A_63 = tpu.memref_slice %arg5[%dma_start3A_60, %dma_start3A_62] : memref<10x1024xi32, #tpu.memory_space<vmem>> -> memref<1x1024xi32, #tpu.memory_space<vmem>>
    %dma_start3A_64 = tpu.memref_squeeze %dma_start3A_63 : memref<1x1024xi32, #tpu.memory_space<vmem>> -> memref<1024xi32, #tpu.memory_space<vmem>>
    %dma_start3A_65 = tpu.memref_slice %arg3[%add3A_59] : memref<327680xi32, #tpu.memory_space<hbm>> -> memref<1024xi32, #tpu.memory_space<hbm>>
    %dma_start3A_66 = tpu.memref_slice %arg7[%dma_start3A_61] : memref<10x!tpu.dma_semaphore, #tpu.memory_space<semaphore_mem>> -> memref<1x!tpu.dma_semaphore, #tpu.memory_space<semaphore_mem>>
    %dma_start3A_67 = tpu.memref_squeeze %dma_start3A_66 : memref<1x!tpu.dma_semaphore, #tpu.memory_space<semaphore_mem>> -> memref<!tpu.dma_semaphore, #tpu.memory_space<semaphore_mem>>
    %dma_start3A_68 = arith.constant 0 : i32
    %dma_start3A_69 = tpu.memref_slice %arg5[%dma_start3A_60, %dma_start3A_68] : memref<10x1024xi32, #tpu.memory_space<vmem>> -> memref<1x1024xi32, #tpu.memory_space<vmem>>
    %dma_start3A_70 = tpu.memref_squeeze %dma_start3A_69 : memref<1x1024xi32, #tpu.memory_space<vmem>> -> memref<1024xi32, #tpu.memory_space<vmem>>
    %dma_start3A_71 = tpu.memref_slice %arg3[%add3A_59] : memref<327680xi32, #tpu.memory_space<hbm>> -> memref<1024xi32, #tpu.memory_space<hbm>>
    tpu.enqueue_dma source(%dma_start3A_71 : memref<1024xi32, #tpu.memory_space<hbm>>) target(%dma_start3A_70 : memref<1024xi32, #tpu.memory_space<vmem>>) target_semaphore(%dma_start3A_67 : memref<!tpu.dma_semaphore, #tpu.memory_space<semaphore_mem>>)
    %add3A_72 = arith.constant 5120 : i32
    %add3A_73 = arith.addi %mul3A_2, %add3A_72 : i32
    %dma_start3A_74 = arith.constant 5 : i32
    %dma_start3A_75 = arith.constant 5 : i32
    %dma_start3A_76 = arith.constant 0 : i32
    %dma_start3A_77 = tpu.memref_slice %arg5[%dma_start3A_74, %dma_start3A_76] : memref<10x1024xi32, #tpu.memory_space<vmem>> -> memref<1x1024xi32, #tpu.memory_space<vmem>>
    %dma_start3A_78 = tpu.memref_squeeze %dma_start3A_77 : memref<1x1024xi32, #tpu.memory_space<vmem>> -> memref<1024xi32, #tpu.memory_space<vmem>>
    %dma_start3A_79 = tpu.memref_slice %arg3[%add3A_73] : memref<327680xi32, #tpu.memory_space<hbm>> -> memref<1024xi32, #tpu.memory_space<hbm>>
    %dma_start3A_80 = tpu.memref_slice %arg7[%dma_start3A_75] : memref<10x!tpu.dma_semaphore, #tpu.memory_space<semaphore_mem>> -> memref<1x!tpu.dma_semaphore, #tpu.memory_space<semaphore_mem>>
    %dma_start3A_81 = tpu.memref_squeeze %dma_start3A_80 : memref<1x!tpu.dma_semaphore, #tpu.memory_space<semaphore_mem>> -> memref<!tpu.dma_semaphore, #tpu.memory_space<semaphore_mem>>
    %dma_start3A_82 = arith.constant 0 : i32
    %dma_start3A_83 = tpu.memref_slice %arg5[%dma_start3A_74, %dma_start3A_82] : memref<10x1024xi32, #tpu.memory_space<vmem>> -> memref<1x1024xi32, #tpu.memory_space<vmem>>
    %dma_start3A_84 = tpu.memref_squeeze %dma_start3A_83 : memref<1x1024xi32, #tpu.memory_space<vmem>> -> memref<1024xi32, #tpu.memory_space<vmem>>
    %dma_start3A_85 = tpu.memref_slice %arg3[%add3A_73] : memref<327680xi32, #tpu.memory_space<hbm>> -> memref<1024xi32, #tpu.memory_space<hbm>>
    tpu.enqueue_dma source(%dma_start3A_85 : memref<1024xi32, #tpu.memory_space<hbm>>) target(%dma_start3A_84 : memref<1024xi32, #tpu.memory_space<vmem>>) target_semaphore(%dma_start3A_81 : memref<!tpu.dma_semaphore, #tpu.memory_space<semaphore_mem>>)
    %add3A_86 = arith.constant 6144 : i32
    %add3A_87 = arith.addi %mul3A_2, %add3A_86 : i32
    %dma_start3A_88 = arith.constant 6 : i32
    %dma_start3A_89 = arith.constant 6 : i32
    %dma_start3A_90 = arith.constant 0 : i32
    %dma_start3A_91 = tpu.memref_slice %arg5[%dma_start3A_88, %dma_start3A_90] : memref<10x1024xi32, #tpu.memory_space<vmem>> -> memref<1x1024xi32, #tpu.memory_space<vmem>>
    %dma_start3A_92 = tpu.memref_squeeze %dma_start3A_91 : memref<1x1024xi32, #tpu.memory_space<vmem>> -> memref<1024xi32, #tpu.memory_space<vmem>>
    %dma_start3A_93 = tpu.memref_slice %arg3[%add3A_87] : memref<327680xi32, #tpu.memory_space<hbm>> -> memref<1024xi32, #tpu.memory_space<hbm>>
    %dma_start3A_94 = tpu.memref_slice %arg7[%dma_start3A_89] : memref<10x!tpu.dma_semaphore, #tpu.memory_space<semaphore_mem>> -> memref<1x!tpu.dma_semaphore, #tpu.memory_space<semaphore_mem>>
    %dma_start3A_95 = tpu.memref_squeeze %dma_start3A_94 : memref<1x!tpu.dma_semaphore, #tpu.memory_space<semaphore_mem>> -> memref<!tpu.dma_semaphore, #tpu.memory_space<semaphore_mem>>
    %dma_start3A_96 = arith.constant 0 : i32
    %dma_start3A_97 = tpu.memref_slice %arg5[%dma_start3A_88, %dma_start3A_96] : memref<10x1024xi32, #tpu.memory_space<vmem>> -> memref<1x1024xi32, #tpu.memory_space<vmem>>
    %dma_start3A_98 = tpu.memref_squeeze %dma_start3A_97 : memref<1x1024xi32, #tpu.memory_space<vmem>> -> memref<1024xi32, #tpu.memory_space<vmem>>
    %dma_start3A_99 = tpu.memref_slice %arg3[%add3A_87] : memref<327680xi32, #tpu.memory_space<hbm>> -> memref<1024xi32, #tpu.memory_space<hbm>>
    tpu.enqueue_dma source(%dma_start3A_99 : memref<1024xi32, #tpu.memory_space<hbm>>) target(%dma_start3A_98 : memref<1024xi32, #tpu.memory_space<vmem>>) target_semaphore(%dma_start3A_95 : memref<!tpu.dma_semaphore, #tpu.memory_space<semaphore_mem>>)
    %add3A_100 = arith.constant 7168 : i32
    %add3A_101 = arith.addi %mul3A_2, %add3A_100 : i32
    %dma_start3A_102 = arith.constant 7 : i32
    %dma_start3A_103 = arith.constant 7 : i32
    %dma_start3A_104 = arith.constant 0 : i32
    %dma_start3A_105 = tpu.memref_slice %arg5[%dma_start3A_102, %dma_start3A_104] : memref<10x1024xi32, #tpu.memory_space<vmem>> -> memref<1x1024xi32, #tpu.memory_space<vmem>>
    %dma_start3A_106 = tpu.memref_squeeze %dma_start3A_105 : memref<1x1024xi32, #tpu.memory_space<vmem>> -> memref<1024xi32, #tpu.memory_space<vmem>>
    %dma_start3A_107 = tpu.memref_slice %arg3[%add3A_101] : memref<327680xi32, #tpu.memory_space<hbm>> -> memref<1024xi32, #tpu.memory_space<hbm>>
    %dma_start3A_108 = tpu.memref_slice %arg7[%dma_start3A_103] : memref<10x!tpu.dma_semaphore, #tpu.memory_space<semaphore_mem>> -> memref<1x!tpu.dma_semaphore, #tpu.memory_space<semaphore_mem>>
    %dma_start3A_109 = tpu.memref_squeeze %dma_start3A_108 : memref<1x!tpu.dma_semaphore, #tpu.memory_space<semaphore_mem>> -> memref<!tpu.dma_semaphore, #tpu.memory_space<semaphore_mem>>
    %dma_start3A_110 = arith.constant 0 : i32
    %dma_start3A_111 = tpu.memref_slice %arg5[%dma_start3A_102, %dma_start3A_110] : memref<10x1024xi32, #tpu.memory_space<vmem>> -> memref<1x1024xi32, #tpu.memory_space<vmem>>
    %dma_start3A_112 = tpu.memref_squeeze %dma_start3A_111 : memref<1x1024xi32, #tpu.memory_space<vmem>> -> memref<1024xi32, #tpu.memory_space<vmem>>
    %dma_start3A_113 = tpu.memref_slice %arg3[%add3A_101] : memref<327680xi32, #tpu.memory_space<hbm>> -> memref<1024xi32, #tpu.memory_space<hbm>>
    tpu.enqueue_dma source(%dma_start3A_113 : memref<1024xi32, #tpu.memory_space<hbm>>) target(%dma_start3A_112 : memref<1024xi32, #tpu.memory_space<vmem>>) target_semaphore(%dma_start3A_109 : memref<!tpu.dma_semaphore, #tpu.memory_space<semaphore_mem>>)
    %add3A_114 = arith.constant 8192 : i32
    %add3A_115 = arith.addi %mul3A_2, %add3A_114 : i32
    %dma_start3A_116 = arith.constant 8 : i32
    %dma_start3A_117 = arith.constant 8 : i32
    %dma_start3A_118 = arith.constant 0 : i32
    %dma_start3A_119 = tpu.memref_slice %arg5[%dma_start3A_116, %dma_start3A_118] : memref<10x1024xi32, #tpu.memory_space<vmem>> -> memref<1x1024xi32, #tpu.memory_space<vmem>>
    %dma_start3A_120 = tpu.memref_squeeze %dma_start3A_119 : memref<1x1024xi32, #tpu.memory_space<vmem>> -> memref<1024xi32, #tpu.memory_space<vmem>>
    %dma_start3A_121 = tpu.memref_slice %arg3[%add3A_115] : memref<327680xi32, #tpu.memory_space<hbm>> -> memref<1024xi32, #tpu.memory_space<hbm>>
    %dma_start3A_122 = tpu.memref_slice %arg7[%dma_start3A_117] : memref<10x!tpu.dma_semaphore, #tpu.memory_space<semaphore_mem>> -> memref<1x!tpu.dma_semaphore, #tpu.memory_space<semaphore_mem>>
    %dma_start3A_123 = tpu.memref_squeeze %dma_start3A_122 : memref<1x!tpu.dma_semaphore, #tpu.memory_space<semaphore_mem>> -> memref<!tpu.dma_semaphore, #tpu.memory_space<semaphore_mem>>
    %dma_start3A_124 = arith.constant 0 : i32
    %dma_start3A_125 = tpu.memref_slice %arg5[%dma_start3A_116, %dma_start3A_124] : memref<10x1024xi32, #tpu.memory_space<vmem>> -> memref<1x1024xi32, #tpu.memory_space<vmem>>
    %dma_start3A_126 = tpu.memref_squeeze %dma_start3A_125 : memref<1x1024xi32, #tpu.memory_space<vmem>> -> memref<1024xi32, #tpu.memory_space<vmem>>
    %dma_start3A_127 = tpu.memref_slice %arg3[%add3A_115] : memref<327680xi32, #tpu.memory_space<hbm>> -> memref<1024xi32, #tpu.memory_space<hbm>>
    tpu.enqueue_dma source(%dma_start3A_127 : memref<1024xi32, #tpu.memory_space<hbm>>) target(%dma_start3A_126 : memref<1024xi32, #tpu.memory_space<vmem>>) target_semaphore(%dma_start3A_123 : memref<!tpu.dma_semaphore, #tpu.memory_space<semaphore_mem>>)
    %add3A_128 = arith.constant 9216 : i32
    %add3A_129 = arith.addi %mul3A_2, %add3A_128 : i32
    %dma_start3A_130 = arith.constant 9 : i32
    %dma_start3A_131 = arith.constant 9 : i32
    %dma_start3A_132 = arith.constant 0 : i32
    %dma_start3A_133 = tpu.memref_slice %arg5[%dma_start3A_130, %dma_start3A_132] : memref<10x1024xi32, #tpu.memory_space<vmem>> -> memref<1x1024xi32, #tpu.memory_space<vmem>>
    %dma_start3A_134 = tpu.memref_squeeze %dma_start3A_133 : memref<1x1024xi32, #tpu.memory_space<vmem>> -> memref<1024xi32, #tpu.memory_space<vmem>>
    %dma_start3A_135 = tpu.memref_slice %arg3[%add3A_129] : memref<327680xi32, #tpu.memory_space<hbm>> -> memref<1024xi32, #tpu.memory_space<hbm>>
    %dma_start3A_136 = tpu.memref_slice %arg7[%dma_start3A_131] : memref<10x!tpu.dma_semaphore, #tpu.memory_space<semaphore_mem>> -> memref<1x!tpu.dma_semaphore, #tpu.memory_space<semaphore_mem>>
    %dma_start3A_137 = tpu.memref_squeeze %dma_start3A_136 : memref<1x!tpu.dma_semaphore, #tpu.memory_space<semaphore_mem>> -> memref<!tpu.dma_semaphore, #tpu.memory_space<semaphore_mem>>
    %dma_start3A_138 = arith.constant 0 : i32
    %dma_start3A_139 = tpu.memref_slice %arg5[%dma_start3A_130, %dma_start3A_138] : memref<10x1024xi32, #tpu.memory_space<vmem>> -> memref<1x1024xi32, #tpu.memory_space<vmem>>
    %dma_start3A_140 = tpu.memref_squeeze %dma_start3A_139 : memref<1x1024xi32, #tpu.memory_space<vmem>> -> memref<1024xi32, #tpu.memory_space<vmem>>
    %dma_start3A_141 = tpu.memref_slice %arg3[%add3A_129] : memref<327680xi32, #tpu.memory_space<hbm>> -> memref<1024xi32, #tpu.memory_space<hbm>>
    tpu.enqueue_dma source(%dma_start3A_141 : memref<1024xi32, #tpu.memory_space<hbm>>) target(%dma_start3A_140 : memref<1024xi32, #tpu.memory_space<vmem>>) target_semaphore(%dma_start3A_137 : memref<!tpu.dma_semaphore, #tpu.memory_space<semaphore_mem>>)
    %dma_wait3A = arith.constant 0 : i32
    %dma_wait3A_142 = arith.constant 0 : i32
    %dma_wait3A_143 = arith.constant 0 : i32
    %dma_wait3A_144 = tpu.memref_slice %arg5[%dma_wait3A, %dma_wait3A_143] : memref<10x1024xi32, #tpu.memory_space<vmem>> -> memref<1x1024xi32, #tpu.memory_space<vmem>>
    %dma_wait3A_145 = tpu.memref_squeeze %dma_wait3A_144 : memref<1x1024xi32, #tpu.memory_space<vmem>> -> memref<1024xi32, #tpu.memory_space<vmem>>
    %dma_wait3A_146 = tpu.memref_slice %arg3[%add3A_4] : memref<327680xi32, #tpu.memory_space<hbm>> -> memref<1024xi32, #tpu.memory_space<hbm>>
    %dma_wait3A_147 = tpu.memref_slice %arg7[%dma_wait3A_142] : memref<10x!tpu.dma_semaphore, #tpu.memory_space<semaphore_mem>> -> memref<1x!tpu.dma_semaphore, #tpu.memory_space<semaphore_mem>>
    %dma_wait3A_148 = tpu.memref_squeeze %dma_wait3A_147 : memref<1x!tpu.dma_semaphore, #tpu.memory_space<semaphore_mem>> -> memref<!tpu.dma_semaphore, #tpu.memory_space<semaphore_mem>>
    %dma_wait3A_149 = arith.constant 0 : i32
    %dma_wait3A_150 = tpu.memref_slice %arg5[%dma_wait3A, %dma_wait3A_149] : memref<10x1024xi32, #tpu.memory_space<vmem>> -> memref<1x1024xi32, #tpu.memory_space<vmem>>
    %dma_wait3A_151 = tpu.memref_squeeze %dma_wait3A_150 : memref<1x1024xi32, #tpu.memory_space<vmem>> -> memref<1024xi32, #tpu.memory_space<vmem>>
    %dma_wait3A_152 = tpu.memref_slice %arg3[%add3A_4] : memref<327680xi32, #tpu.memory_space<hbm>> -> memref<1024xi32, #tpu.memory_space<hbm>>
    tpu.wait_dma2 semaphore(%dma_wait3A_148 : memref<!tpu.dma_semaphore, #tpu.memory_space<semaphore_mem>>) src(%dma_wait3A_152 : memref<1024xi32, #tpu.memory_space<hbm>>) dst(%dma_wait3A_151 : memref<1024xi32, #tpu.memory_space<vmem>>)
    %dma_start3A_153 = arith.constant 0 : i32
    %dma_start3A_154 = arith.constant 0 : i32
    %dma_start3A_155 = arith.constant 0 : i32
    %dma_start3A_156 = arith.constant 0 : i32
    %dma_start3A_157 = arith.constant 0 : i32
    %dma_start3A_158 = tpu.memref_slice %arg6[%dma_start3A_154, %dma_start3A_156, %dma_start3A_157] : memref<3x1024x32xf32, #tpu.memory_space<vmem>> -> memref<1x1024x32xf32, #tpu.memory_space<vmem>>
    %dma_start3A_159 = tpu.memref_squeeze %dma_start3A_158 : memref<1x1024x32xf32, #tpu.memory_space<vmem>> -> memref<1024x32xf32, #tpu.memory_space<vmem>>
    %dma_start3A_160 = arith.constant 0 : i32
    %dma_start3A_161 = tpu.memref_slice %arg5[%dma_start3A_153, %dma_start3A_160] : memref<10x1024xi32, #tpu.memory_space<vmem>> -> memref<1x1024xi32, #tpu.memory_space<vmem>>
    %dma_start3A_162 = tpu.memref_squeeze %dma_start3A_161 : memref<1x1024xi32, #tpu.memory_space<vmem>> -> memref<1024xi32, #tpu.memory_space<vmem>>
    %dma_start3A_163 = arith.constant 0 : i32
    %dma_start3A_164 = arith.constant 0 : i32
    %dma_start3A_165 = tpu.memref_slice %arg2[%dma_start3A_163, %dma_start3A_164] : memref<1000000x32xf32, #tpu.memory_space<hbm>> -> memref<1000000x32xf32, #tpu.memory_space<hbm>>
    %dma_start3A_166 = tpu.memref_slice %arg8[%dma_start3A_155] : memref<3x!tpu.dma_semaphore, #tpu.memory_space<semaphore_mem>> -> memref<1x!tpu.dma_semaphore, #tpu.memory_space<semaphore_mem>>
    %dma_start3A_167 = tpu.memref_squeeze %dma_start3A_166 : memref<1x!tpu.dma_semaphore, #tpu.memory_space<semaphore_mem>> -> memref<!tpu.dma_semaphore, #tpu.memory_space<semaphore_mem>>
    tpu.enqueue_indirect_dma source(%dma_start3A_165 : memref<1000000x32xf32, #tpu.memory_space<hbm>>) target(%dma_start3A_159 : memref<1024x32xf32, #tpu.memory_space<vmem>>) offsets(%dma_start3A_162 : memref<1024xi32, #tpu.memory_space<vmem>>) semaphore(%dma_start3A_167 : memref<!tpu.dma_semaphore, #tpu.memory_space<semaphore_mem>>)
    %dma_wait3A_168 = arith.constant 1 : i32
    %dma_wait3A_169 = arith.constant 1 : i32
    %dma_wait3A_170 = arith.constant 0 : i32
    %dma_wait3A_171 = tpu.memref_slice %arg5[%dma_wait3A_168, %dma_wait3A_170] : memref<10x1024xi32, #tpu.memory_space<vmem>> -> memref<1x1024xi32, #tpu.memory_space<vmem>>
    %dma_wait3A_172 = tpu.memref_squeeze %dma_wait3A_171 : memref<1x1024xi32, #tpu.memory_space<vmem>> -> memref<1024xi32, #tpu.memory_space<vmem>>
    %dma_wait3A_173 = tpu.memref_slice %arg3[%add3A_17] : memref<327680xi32, #tpu.memory_space<hbm>> -> memref<1024xi32, #tpu.memory_space<hbm>>
    %dma_wait3A_174 = tpu.memref_slice %arg7[%dma_wait3A_169] : memref<10x!tpu.dma_semaphore, #tpu.memory_space<semaphore_mem>> -> memref<1x!tpu.dma_semaphore, #tpu.memory_space<semaphore_mem>>
    %dma_wait3A_175 = tpu.memref_squeeze %dma_wait3A_174 : memref<1x!tpu.dma_semaphore, #tpu.memory_space<semaphore_mem>> -> memref<!tpu.dma_semaphore, #tpu.memory_space<semaphore_mem>>
    %dma_wait3A_176 = arith.constant 0 : i32
    %dma_wait3A_177 = tpu.memref_slice %arg5[%dma_wait3A_168, %dma_wait3A_176] : memref<10x1024xi32, #tpu.memory_space<vmem>> -> memref<1x1024xi32, #tpu.memory_space<vmem>>
    %dma_wait3A_178 = tpu.memref_squeeze %dma_wait3A_177 : memref<1x1024xi32, #tpu.memory_space<vmem>> -> memref<1024xi32, #tpu.memory_space<vmem>>
    %dma_wait3A_179 = tpu.memref_slice %arg3[%add3A_17] : memref<327680xi32, #tpu.memory_space<hbm>> -> memref<1024xi32, #tpu.memory_space<hbm>>
    tpu.wait_dma2 semaphore(%dma_wait3A_175 : memref<!tpu.dma_semaphore, #tpu.memory_space<semaphore_mem>>) src(%dma_wait3A_179 : memref<1024xi32, #tpu.memory_space<hbm>>) dst(%dma_wait3A_178 : memref<1024xi32, #tpu.memory_space<vmem>>)
    %dma_start3A_180 = arith.constant 1 : i32
    %dma_start3A_181 = arith.constant 1 : i32
    %dma_start3A_182 = arith.constant 1 : i32
    %dma_start3A_183 = arith.constant 0 : i32
    %dma_start3A_184 = arith.constant 0 : i32
    %dma_start3A_185 = tpu.memref_slice %arg6[%dma_start3A_181, %dma_start3A_183, %dma_start3A_184] : memref<3x1024x32xf32, #tpu.memory_space<vmem>> -> memref<1x1024x32xf32, #tpu.memory_space<vmem>>
    %dma_start3A_186 = tpu.memref_squeeze %dma_start3A_185 : memref<1x1024x32xf32, #tpu.memory_space<vmem>> -> memref<1024x32xf32, #tpu.memory_space<vmem>>
    %dma_start3A_187 = arith.constant 0 : i32
    %dma_start3A_188 = tpu.memref_slice %arg5[%dma_start3A_180, %dma_start3A_187] : memref<10x1024xi32, #tpu.memory_space<vmem>> -> memref<1x1024xi32, #tpu.memory_space<vmem>>
    %dma_start3A_189 = tpu.memref_squeeze %dma_start3A_188 : memref<1x1024xi32, #tpu.memory_space<vmem>> -> memref<1024xi32, #tpu.memory_space<vmem>>
    %dma_start3A_190 = arith.constant 0 : i32
    %dma_start3A_191 = arith.constant 0 : i32
    %dma_start3A_192 = tpu.memref_slice %arg2[%dma_start3A_190, %dma_start3A_191] : memref<1000000x32xf32, #tpu.memory_space<hbm>> -> memref<1000000x32xf32, #tpu.memory_space<hbm>>
    %dma_start3A_193 = tpu.memref_slice %arg8[%dma_start3A_182] : memref<3x!tpu.dma_semaphore, #tpu.memory_space<semaphore_mem>> -> memref<1x!tpu.dma_semaphore, #tpu.memory_space<semaphore_mem>>
    %dma_start3A_194 = tpu.memref_squeeze %dma_start3A_193 : memref<1x!tpu.dma_semaphore, #tpu.memory_space<semaphore_mem>> -> memref<!tpu.dma_semaphore, #tpu.memory_space<semaphore_mem>>
    tpu.enqueue_indirect_dma source(%dma_start3A_192 : memref<1000000x32xf32, #tpu.memory_space<hbm>>) target(%dma_start3A_186 : memref<1024x32xf32, #tpu.memory_space<vmem>>) offsets(%dma_start3A_189 : memref<1024xi32, #tpu.memory_space<vmem>>) semaphore(%dma_start3A_194 : memref<!tpu.dma_semaphore, #tpu.memory_space<semaphore_mem>>)
    %dma_wait3A_195 = arith.constant 0 : i32
    %dma_wait3A_196 = arith.constant 0 : i32
    %dma_wait3A_197 = arith.constant 0 : i32
    %dma_wait3A_198 = arith.constant 0 : i32
    %dma_wait3A_199 = arith.constant 0 : i32
    %dma_wait3A_200 = tpu.memref_slice %arg6[%dma_wait3A_196, %dma_wait3A_198, %dma_wait3A_199] : memref<3x1024x32xf32, #tpu.memory_space<vmem>> -> memref<1x1024x32xf32, #tpu.memory_space<vmem>>
    %dma_wait3A_201 = tpu.memref_squeeze %dma_wait3A_200 : memref<1x1024x32xf32, #tpu.memory_space<vmem>> -> memref<1024x32xf32, #tpu.memory_space<vmem>>
    %dma_wait3A_202 = arith.constant 0 : i32
    %dma_wait3A_203 = tpu.memref_slice %arg5[%dma_wait3A_195, %dma_wait3A_202] : memref<10x1024xi32, #tpu.memory_space<vmem>> -> memref<1x1024xi32, #tpu.memory_space<vmem>>
    %dma_wait3A_204 = tpu.memref_squeeze %dma_wait3A_203 : memref<1x1024xi32, #tpu.memory_space<vmem>> -> memref<1024xi32, #tpu.memory_space<vmem>>
    %dma_wait3A_205 = arith.constant 0 : i32
    %dma_wait3A_206 = arith.constant 0 : i32
    %dma_wait3A_207 = tpu.memref_slice %arg2[%dma_wait3A_205, %dma_wait3A_206] : memref<1000000x32xf32, #tpu.memory_space<hbm>> -> memref<1000000x32xf32, #tpu.memory_space<hbm>>
    %dma_wait3A_208 = tpu.memref_slice %arg8[%dma_wait3A_197] : memref<3x!tpu.dma_semaphore, #tpu.memory_space<semaphore_mem>> -> memref<1x!tpu.dma_semaphore, #tpu.memory_space<semaphore_mem>>
    %dma_wait3A_209 = tpu.memref_squeeze %dma_wait3A_208 : memref<1x!tpu.dma_semaphore, #tpu.memory_space<semaphore_mem>> -> memref<!tpu.dma_semaphore, #tpu.memory_space<semaphore_mem>>
    tpu.wait_indirect_dma semaphore(%dma_wait3A_209 : memref<!tpu.dma_semaphore, #tpu.memory_space<semaphore_mem>>) src(%dma_wait3A_207 : memref<1000000x32xf32, #tpu.memory_space<hbm>>) dst(%dma_wait3A_201 : memref<1024x32xf32, #tpu.memory_space<vmem>>)
    %add3A_210 = arith.constant 0 : i32
    %add3A_211 = arith.addi %mul3A_2, %add3A_210 : i32
    %dma_start3A_212 = arith.constant 0 : i32
    %dma_start3A_213 = arith.constant 0 : i32
    %dma_start3A_214 = arith.constant 0 : i32
    %dma_start3A_215 = arith.constant 0 : i32
    %dma_start3A_216 = tpu.memref_slice %arg6[%dma_start3A_212, %dma_start3A_214, %dma_start3A_215] : memref<3x1024x32xf32, #tpu.memory_space<vmem>> -> memref<1x1024x32xf32, #tpu.memory_space<vmem>>
    %dma_start3A_217 = tpu.memref_squeeze %dma_start3A_216 : memref<1x1024x32xf32, #tpu.memory_space<vmem>> -> memref<1024x32xf32, #tpu.memory_space<vmem>>
    %dma_start3A_218 = arith.constant 0 : i32
    %dma_start3A_219 = tpu.memref_slice %arg4[%add3A_211, %dma_start3A_218] : memref<327680x32xf32, #tpu.memory_space<hbm>> -> memref<1024x32xf32, #tpu.memory_space<hbm>>
    %dma_start3A_220 = tpu.memref_slice %arg9[%dma_start3A_213] : memref<3x!tpu.dma_semaphore, #tpu.memory_space<semaphore_mem>> -> memref<1x!tpu.dma_semaphore, #tpu.memory_space<semaphore_mem>>
    %dma_start3A_221 = tpu.memref_squeeze %dma_start3A_220 : memref<1x!tpu.dma_semaphore, #tpu.memory_space<semaphore_mem>> -> memref<!tpu.dma_semaphore, #tpu.memory_space<semaphore_mem>>
    %dma_start3A_222 = arith.constant 0 : i32
    %dma_start3A_223 = tpu.memref_slice %arg4[%add3A_211, %dma_start3A_222] : memref<327680x32xf32, #tpu.memory_space<hbm>> -> memref<1024x32xf32, #tpu.memory_space<hbm>>
    %dma_start3A_224 = arith.constant 0 : i32
    %dma_start3A_225 = arith.constant 0 : i32
    %dma_start3A_226 = tpu.memref_slice %arg6[%dma_start3A_212, %dma_start3A_224, %dma_start3A_225] : memref<3x1024x32xf32, #tpu.memory_space<vmem>> -> memref<1x1024x32xf32, #tpu.memory_space<vmem>>
    %dma_start3A_227 = tpu.memref_squeeze %dma_start3A_226 : memref<1x1024x32xf32, #tpu.memory_space<vmem>> -> memref<1024x32xf32, #tpu.memory_space<vmem>>
    tpu.enqueue_dma source(%dma_start3A_227 : memref<1024x32xf32, #tpu.memory_space<vmem>>) target(%dma_start3A_223 : memref<1024x32xf32, #tpu.memory_space<hbm>>) target_semaphore(%dma_start3A_221 : memref<!tpu.dma_semaphore, #tpu.memory_space<semaphore_mem>>)
    %dma_wait3A_228 = arith.constant 2 : i32
    %dma_wait3A_229 = arith.constant 2 : i32
    %dma_wait3A_230 = arith.constant 0 : i32
    %dma_wait3A_231 = tpu.memref_slice %arg5[%dma_wait3A_228, %dma_wait3A_230] : memref<10x1024xi32, #tpu.memory_space<vmem>> -> memref<1x1024xi32, #tpu.memory_space<vmem>>
    %dma_wait3A_232 = tpu.memref_squeeze %dma_wait3A_231 : memref<1x1024xi32, #tpu.memory_space<vmem>> -> memref<1024xi32, #tpu.memory_space<vmem>>
    %dma_wait3A_233 = tpu.memref_slice %arg3[%add3A_31] : memref<327680xi32, #tpu.memory_space<hbm>> -> memref<1024xi32, #tpu.memory_space<hbm>>
    %dma_wait3A_234 = tpu.memref_slice %arg7[%dma_wait3A_229] : memref<10x!tpu.dma_semaphore, #tpu.memory_space<semaphore_mem>> -> memref<1x!tpu.dma_semaphore, #tpu.memory_space<semaphore_mem>>
    %dma_wait3A_235 = tpu.memref_squeeze %dma_wait3A_234 : memref<1x!tpu.dma_semaphore, #tpu.memory_space<semaphore_mem>> -> memref<!tpu.dma_semaphore, #tpu.memory_space<semaphore_mem>>
    %dma_wait3A_236 = arith.constant 0 : i32
    %dma_wait3A_237 = tpu.memref_slice %arg5[%dma_wait3A_228, %dma_wait3A_236] : memref<10x1024xi32, #tpu.memory_space<vmem>> -> memref<1x1024xi32, #tpu.memory_space<vmem>>
    %dma_wait3A_238 = tpu.memref_squeeze %dma_wait3A_237 : memref<1x1024xi32, #tpu.memory_space<vmem>> -> memref<1024xi32, #tpu.memory_space<vmem>>
    %dma_wait3A_239 = tpu.memref_slice %arg3[%add3A_31] : memref<327680xi32, #tpu.memory_space<hbm>> -> memref<1024xi32, #tpu.memory_space<hbm>>
    tpu.wait_dma2 semaphore(%dma_wait3A_235 : memref<!tpu.dma_semaphore, #tpu.memory_space<semaphore_mem>>) src(%dma_wait3A_239 : memref<1024xi32, #tpu.memory_space<hbm>>) dst(%dma_wait3A_238 : memref<1024xi32, #tpu.memory_space<vmem>>)
    %dma_start3A_240 = arith.constant 2 : i32
    %dma_start3A_241 = arith.constant 2 : i32
    %dma_start3A_242 = arith.constant 2 : i32
    %dma_start3A_243 = arith.constant 0 : i32
    %dma_start3A_244 = arith.constant 0 : i32
    %dma_start3A_245 = tpu.memref_slice %arg6[%dma_start3A_241, %dma_start3A_243, %dma_start3A_244] : memref<3x1024x32xf32, #tpu.memory_space<vmem>> -> memref<1x1024x32xf32, #tpu.memory_space<vmem>>
    %dma_start3A_246 = tpu.memref_squeeze %dma_start3A_245 : memref<1x1024x32xf32, #tpu.memory_space<vmem>> -> memref<1024x32xf32, #tpu.memory_space<vmem>>
    %dma_start3A_247 = arith.constant 0 : i32
    %dma_start3A_248 = tpu.memref_slice %arg5[%dma_start3A_240, %dma_start3A_247] : memref<10x1024xi32, #tpu.memory_space<vmem>> -> memref<1x1024xi32, #tpu.memory_space<vmem>>
    %dma_start3A_249 = tpu.memref_squeeze %dma_start3A_248 : memref<1x1024xi32, #tpu.memory_space<vmem>> -> memref<1024xi32, #tpu.memory_space<vmem>>
    %dma_start3A_250 = arith.constant 0 : i32
    %dma_start3A_251 = arith.constant 0 : i32
    %dma_start3A_252 = tpu.memref_slice %arg2[%dma_start3A_250, %dma_start3A_251] : memref<1000000x32xf32, #tpu.memory_space<hbm>> -> memref<1000000x32xf32, #tpu.memory_space<hbm>>
    %dma_start3A_253 = tpu.memref_slice %arg8[%dma_start3A_242] : memref<3x!tpu.dma_semaphore, #tpu.memory_space<semaphore_mem>> -> memref<1x!tpu.dma_semaphore, #tpu.memory_space<semaphore_mem>>
    %dma_start3A_254 = tpu.memref_squeeze %dma_start3A_253 : memref<1x!tpu.dma_semaphore, #tpu.memory_space<semaphore_mem>> -> memref<!tpu.dma_semaphore, #tpu.memory_space<semaphore_mem>>
    tpu.enqueue_indirect_dma source(%dma_start3A_252 : memref<1000000x32xf32, #tpu.memory_space<hbm>>) target(%dma_start3A_246 : memref<1024x32xf32, #tpu.memory_space<vmem>>) offsets(%dma_start3A_249 : memref<1024xi32, #tpu.memory_space<vmem>>) semaphore(%dma_start3A_254 : memref<!tpu.dma_semaphore, #tpu.memory_space<semaphore_mem>>)
    %dma_wait3A_255 = arith.constant 1 : i32
    %dma_wait3A_256 = arith.constant 1 : i32
    %dma_wait3A_257 = arith.constant 1 : i32
    %dma_wait3A_258 = arith.constant 0 : i32
    %dma_wait3A_259 = arith.constant 0 : i32
    %dma_wait3A_260 = tpu.memref_slice %arg6[%dma_wait3A_256, %dma_wait3A_258, %dma_wait3A_259] : memref<3x1024x32xf32, #tpu.memory_space<vmem>> -> memref<1x1024x32xf32, #tpu.memory_space<vmem>>
    %dma_wait3A_261 = tpu.memref_squeeze %dma_wait3A_260 : memref<1x1024x32xf32, #tpu.memory_space<vmem>> -> memref<1024x32xf32, #tpu.memory_space<vmem>>
    %dma_wait3A_262 = arith.constant 0 : i32
    %dma_wait3A_263 = tpu.memref_slice %arg5[%dma_wait3A_255, %dma_wait3A_262] : memref<10x1024xi32, #tpu.memory_space<vmem>> -> memref<1x1024xi32, #tpu.memory_space<vmem>>
    %dma_wait3A_264 = tpu.memref_squeeze %dma_wait3A_263 : memref<1x1024xi32, #tpu.memory_space<vmem>> -> memref<1024xi32, #tpu.memory_space<vmem>>
    %dma_wait3A_265 = arith.constant 0 : i32
    %dma_wait3A_266 = arith.constant 0 : i32
    %dma_wait3A_267 = tpu.memref_slice %arg2[%dma_wait3A_265, %dma_wait3A_266] : memref<1000000x32xf32, #tpu.memory_space<hbm>> -> memref<1000000x32xf32, #tpu.memory_space<hbm>>
    %dma_wait3A_268 = tpu.memref_slice %arg8[%dma_wait3A_257] : memref<3x!tpu.dma_semaphore, #tpu.memory_space<semaphore_mem>> -> memref<1x!tpu.dma_semaphore, #tpu.memory_space<semaphore_mem>>
    %dma_wait3A_269 = tpu.memref_squeeze %dma_wait3A_268 : memref<1x!tpu.dma_semaphore, #tpu.memory_space<semaphore_mem>> -> memref<!tpu.dma_semaphore, #tpu.memory_space<semaphore_mem>>
    tpu.wait_indirect_dma semaphore(%dma_wait3A_269 : memref<!tpu.dma_semaphore, #tpu.memory_space<semaphore_mem>>) src(%dma_wait3A_267 : memref<1000000x32xf32, #tpu.memory_space<hbm>>) dst(%dma_wait3A_261 : memref<1024x32xf32, #tpu.memory_space<vmem>>)
    %add3A_270 = arith.constant 1024 : i32
    %add3A_271 = arith.addi %mul3A_2, %add3A_270 : i32
    %dma_start3A_272 = arith.constant 1 : i32
    %dma_start3A_273 = arith.constant 1 : i32
    %dma_start3A_274 = arith.constant 0 : i32
    %dma_start3A_275 = arith.constant 0 : i32
    %dma_start3A_276 = tpu.memref_slice %arg6[%dma_start3A_272, %dma_start3A_274, %dma_start3A_275] : memref<3x1024x32xf32, #tpu.memory_space<vmem>> -> memref<1x1024x32xf32, #tpu.memory_space<vmem>>
    %dma_start3A_277 = tpu.memref_squeeze %dma_start3A_276 : memref<1x1024x32xf32, #tpu.memory_space<vmem>> -> memref<1024x32xf32, #tpu.memory_space<vmem>>
    %dma_start3A_278 = arith.constant 0 : i32
    %dma_start3A_279 = tpu.memref_slice %arg4[%add3A_271, %dma_start3A_278] : memref<327680x32xf32, #tpu.memory_space<hbm>> -> memref<1024x32xf32, #tpu.memory_space<hbm>>
    %dma_start3A_280 = tpu.memref_slice %arg9[%dma_start3A_273] : memref<3x!tpu.dma_semaphore, #tpu.memory_space<semaphore_mem>> -> memref<1x!tpu.dma_semaphore, #tpu.memory_space<semaphore_mem>>
    %dma_start3A_281 = tpu.memref_squeeze %dma_start3A_280 : memref<1x!tpu.dma_semaphore, #tpu.memory_space<semaphore_mem>> -> memref<!tpu.dma_semaphore, #tpu.memory_space<semaphore_mem>>
    %dma_start3A_282 = arith.constant 0 : i32
    %dma_start3A_283 = tpu.memref_slice %arg4[%add3A_271, %dma_start3A_282] : memref<327680x32xf32, #tpu.memory_space<hbm>> -> memref<1024x32xf32, #tpu.memory_space<hbm>>
    %dma_start3A_284 = arith.constant 0 : i32
    %dma_start3A_285 = arith.constant 0 : i32
    %dma_start3A_286 = tpu.memref_slice %arg6[%dma_start3A_272, %dma_start3A_284, %dma_start3A_285] : memref<3x1024x32xf32, #tpu.memory_space<vmem>> -> memref<1x1024x32xf32, #tpu.memory_space<vmem>>
    %dma_start3A_287 = tpu.memref_squeeze %dma_start3A_286 : memref<1x1024x32xf32, #tpu.memory_space<vmem>> -> memref<1024x32xf32, #tpu.memory_space<vmem>>
    tpu.enqueue_dma source(%dma_start3A_287 : memref<1024x32xf32, #tpu.memory_space<vmem>>) target(%dma_start3A_283 : memref<1024x32xf32, #tpu.memory_space<hbm>>) target_semaphore(%dma_start3A_281 : memref<!tpu.dma_semaphore, #tpu.memory_space<semaphore_mem>>)
    %dma_wait3A_288 = arith.constant 0 : i32
    %dma_wait3A_289 = arith.constant 0 : i32
    %dma_wait3A_290 = arith.constant 0 : i32
    %dma_wait3A_291 = arith.constant 0 : i32
    %dma_wait3A_292 = tpu.memref_slice %arg6[%dma_wait3A_288, %dma_wait3A_290, %dma_wait3A_291] : memref<3x1024x32xf32, #tpu.memory_space<vmem>> -> memref<1x1024x32xf32, #tpu.memory_space<vmem>>
    %dma_wait3A_293 = tpu.memref_squeeze %dma_wait3A_292 : memref<1x1024x32xf32, #tpu.memory_space<vmem>> -> memref<1024x32xf32, #tpu.memory_space<vmem>>
    %dma_wait3A_294 = arith.constant 0 : i32
    %dma_wait3A_295 = tpu.memref_slice %arg4[%add3A_211, %dma_wait3A_294] : memref<327680x32xf32, #tpu.memory_space<hbm>> -> memref<1024x32xf32, #tpu.memory_space<hbm>>
    %dma_wait3A_296 = tpu.memref_slice %arg9[%dma_wait3A_289] : memref<3x!tpu.dma_semaphore, #tpu.memory_space<semaphore_mem>> -> memref<1x!tpu.dma_semaphore, #tpu.memory_space<semaphore_mem>>
    %dma_wait3A_297 = tpu.memref_squeeze %dma_wait3A_296 : memref<1x!tpu.dma_semaphore, #tpu.memory_space<semaphore_mem>> -> memref<!tpu.dma_semaphore, #tpu.memory_space<semaphore_mem>>
    %dma_wait3A_298 = arith.constant 0 : i32
    %dma_wait3A_299 = tpu.memref_slice %arg4[%add3A_211, %dma_wait3A_298] : memref<327680x32xf32, #tpu.memory_space<hbm>> -> memref<1024x32xf32, #tpu.memory_space<hbm>>
    %dma_wait3A_300 = arith.constant 0 : i32
    %dma_wait3A_301 = arith.constant 0 : i32
    %dma_wait3A_302 = tpu.memref_slice %arg6[%dma_wait3A_288, %dma_wait3A_300, %dma_wait3A_301] : memref<3x1024x32xf32, #tpu.memory_space<vmem>> -> memref<1x1024x32xf32, #tpu.memory_space<vmem>>
    %dma_wait3A_303 = tpu.memref_squeeze %dma_wait3A_302 : memref<1x1024x32xf32, #tpu.memory_space<vmem>> -> memref<1024x32xf32, #tpu.memory_space<vmem>>
    tpu.wait_dma2 semaphore(%dma_wait3A_297 : memref<!tpu.dma_semaphore, #tpu.memory_space<semaphore_mem>>) src(%dma_wait3A_303 : memref<1024x32xf32, #tpu.memory_space<vmem>>) dst(%dma_wait3A_299 : memref<1024x32xf32, #tpu.memory_space<hbm>>)
    %dma_wait3A_304 = arith.constant 3 : i32
    %dma_wait3A_305 = arith.constant 3 : i32
    %dma_wait3A_306 = arith.constant 0 : i32
    %dma_wait3A_307 = tpu.memref_slice %arg5[%dma_wait3A_304, %dma_wait3A_306] : memref<10x1024xi32, #tpu.memory_space<vmem>> -> memref<1x1024xi32, #tpu.memory_space<vmem>>
    %dma_wait3A_308 = tpu.memref_squeeze %dma_wait3A_307 : memref<1x1024xi32, #tpu.memory_space<vmem>> -> memref<1024xi32, #tpu.memory_space<vmem>>
    %dma_wait3A_309 = tpu.memref_slice %arg3[%add3A_45] : memref<327680xi32, #tpu.memory_space<hbm>> -> memref<1024xi32, #tpu.memory_space<hbm>>
    %dma_wait3A_310 = tpu.memref_slice %arg7[%dma_wait3A_305] : memref<10x!tpu.dma_semaphore, #tpu.memory_space<semaphore_mem>> -> memref<1x!tpu.dma_semaphore, #tpu.memory_space<semaphore_mem>>
    %dma_wait3A_311 = tpu.memref_squeeze %dma_wait3A_310 : memref<1x!tpu.dma_semaphore, #tpu.memory_space<semaphore_mem>> -> memref<!tpu.dma_semaphore, #tpu.memory_space<semaphore_mem>>
    %dma_wait3A_312 = arith.constant 0 : i32
    %dma_wait3A_313 = tpu.memref_slice %arg5[%dma_wait3A_304, %dma_wait3A_312] : memref<10x1024xi32, #tpu.memory_space<vmem>> -> memref<1x1024xi32, #tpu.memory_space<vmem>>
    %dma_wait3A_314 = tpu.memref_squeeze %dma_wait3A_313 : memref<1x1024xi32, #tpu.memory_space<vmem>> -> memref<1024xi32, #tpu.memory_space<vmem>>
    %dma_wait3A_315 = tpu.memref_slice %arg3[%add3A_45] : memref<327680xi32, #tpu.memory_space<hbm>> -> memref<1024xi32, #tpu.memory_space<hbm>>
    tpu.wait_dma2 semaphore(%dma_wait3A_311 : memref<!tpu.dma_semaphore, #tpu.memory_space<semaphore_mem>>) src(%dma_wait3A_315 : memref<1024xi32, #tpu.memory_space<hbm>>) dst(%dma_wait3A_314 : memref<1024xi32, #tpu.memory_space<vmem>>)
    %dma_start3A_316 = arith.constant 3 : i32
    %dma_start3A_317 = arith.constant 0 : i32
    %dma_start3A_318 = arith.constant 0 : i32
    %dma_start3A_319 = arith.constant 0 : i32
    %dma_start3A_320 = arith.constant 0 : i32
    %dma_start3A_321 = tpu.memref_slice %arg6[%dma_start3A_317, %dma_start3A_319, %dma_start3A_320] : memref<3x1024x32xf32, #tpu.memory_space<vmem>> -> memref<1x1024x32xf32, #tpu.memory_space<vmem>>
    %dma_start3A_322 = tpu.memref_squeeze %dma_start3A_321 : memref<1x1024x32xf32, #tpu.memory_space<vmem>> -> memref<1024x32xf32, #tpu.memory_space<vmem>>
    %dma_start3A_323 = arith.constant 0 : i32
    %dma_start3A_324 = tpu.memref_slice %arg5[%dma_start3A_316, %dma_start3A_323] : memref<10x1024xi32, #tpu.memory_space<vmem>> -> memref<1x1024xi32, #tpu.memory_space<vmem>>
    %dma_start3A_325 = tpu.memref_squeeze %dma_start3A_324 : memref<1x1024xi32, #tpu.memory_space<vmem>> -> memref<1024xi32, #tpu.memory_space<vmem>>
    %dma_start3A_326 = arith.constant 0 : i32
    %dma_start3A_327 = arith.constant 0 : i32
    %dma_start3A_328 = tpu.memref_slice %arg2[%dma_start3A_326, %dma_start3A_327] : memref<1000000x32xf32, #tpu.memory_space<hbm>> -> memref<1000000x32xf32, #tpu.memory_space<hbm>>
    %dma_start3A_329 = tpu.memref_slice %arg8[%dma_start3A_318] : memref<3x!tpu.dma_semaphore, #tpu.memory_space<semaphore_mem>> -> memref<1x!tpu.dma_semaphore, #tpu.memory_space<semaphore_mem>>
    %dma_start3A_330 = tpu.memref_squeeze %dma_start3A_329 : memref<1x!tpu.dma_semaphore, #tpu.memory_space<semaphore_mem>> -> memref<!tpu.dma_semaphore, #tpu.memory_space<semaphore_mem>>
    tpu.enqueue_indirect_dma source(%dma_start3A_328 : memref<1000000x32xf32, #tpu.memory_space<hbm>>) target(%dma_start3A_322 : memref<1024x32xf32, #tpu.memory_space<vmem>>) offsets(%dma_start3A_325 : memref<1024xi32, #tpu.memory_space<vmem>>) semaphore(%dma_start3A_330 : memref<!tpu.dma_semaphore, #tpu.memory_space<semaphore_mem>>)
    %dma_wait3A_331 = arith.constant 2 : i32
    %dma_wait3A_332 = arith.constant 2 : i32
    %dma_wait3A_333 = arith.constant 2 : i32
    %dma_wait3A_334 = arith.constant 0 : i32
    %dma_wait3A_335 = arith.constant 0 : i32
    %dma_wait3A_336 = tpu.memref_slice %arg6[%dma_wait3A_332, %dma_wait3A_334, %dma_wait3A_335] : memref<3x1024x32xf32, #tpu.memory_space<vmem>> -> memref<1x1024x32xf32, #tpu.memory_space<vmem>>
    %dma_wait3A_337 = tpu.memref_squeeze %dma_wait3A_336 : memref<1x1024x32xf32, #tpu.memory_space<vmem>> -> memref<1024x32xf32, #tpu.memory_space<vmem>>
    %dma_wait3A_338 = arith.constant 0 : i32
    %dma_wait3A_339 = tpu.memref_slice %arg5[%dma_wait3A_331, %dma_wait3A_338] : memref<10x1024xi32, #tpu.memory_space<vmem>> -> memref<1x1024xi32, #tpu.memory_space<vmem>>
    %dma_wait3A_340 = tpu.memref_squeeze %dma_wait3A_339 : memref<1x1024xi32, #tpu.memory_space<vmem>> -> memref<1024xi32, #tpu.memory_space<vmem>>
    %dma_wait3A_341 = arith.constant 0 : i32
    %dma_wait3A_342 = arith.constant 0 : i32
    %dma_wait3A_343 = tpu.memref_slice %arg2[%dma_wait3A_341, %dma_wait3A_342] : memref<1000000x32xf32, #tpu.memory_space<hbm>> -> memref<1000000x32xf32, #tpu.memory_space<hbm>>
    %dma_wait3A_344 = tpu.memref_slice %arg8[%dma_wait3A_333] : memref<3x!tpu.dma_semaphore, #tpu.memory_space<semaphore_mem>> -> memref<1x!tpu.dma_semaphore, #tpu.memory_space<semaphore_mem>>
    %dma_wait3A_345 = tpu.memref_squeeze %dma_wait3A_344 : memref<1x!tpu.dma_semaphore, #tpu.memory_space<semaphore_mem>> -> memref<!tpu.dma_semaphore, #tpu.memory_space<semaphore_mem>>
    tpu.wait_indirect_dma semaphore(%dma_wait3A_345 : memref<!tpu.dma_semaphore, #tpu.memory_space<semaphore_mem>>) src(%dma_wait3A_343 : memref<1000000x32xf32, #tpu.memory_space<hbm>>) dst(%dma_wait3A_337 : memref<1024x32xf32, #tpu.memory_space<vmem>>)
    %add3A_346 = arith.constant 2048 : i32
    %add3A_347 = arith.addi %mul3A_2, %add3A_346 : i32
    %dma_start3A_348 = arith.constant 2 : i32
    %dma_start3A_349 = arith.constant 2 : i32
    %dma_start3A_350 = arith.constant 0 : i32
    %dma_start3A_351 = arith.constant 0 : i32
    %dma_start3A_352 = tpu.memref_slice %arg6[%dma_start3A_348, %dma_start3A_350, %dma_start3A_351] : memref<3x1024x32xf32, #tpu.memory_space<vmem>> -> memref<1x1024x32xf32, #tpu.memory_space<vmem>>
    %dma_start3A_353 = tpu.memref_squeeze %dma_start3A_352 : memref<1x1024x32xf32, #tpu.memory_space<vmem>> -> memref<1024x32xf32, #tpu.memory_space<vmem>>
    %dma_start3A_354 = arith.constant 0 : i32
    %dma_start3A_355 = tpu.memref_slice %arg4[%add3A_347, %dma_start3A_354] : memref<327680x32xf32, #tpu.memory_space<hbm>> -> memref<1024x32xf32, #tpu.memory_space<hbm>>
    %dma_start3A_356 = tpu.memref_slice %arg9[%dma_start3A_349] : memref<3x!tpu.dma_semaphore, #tpu.memory_space<semaphore_mem>> -> memref<1x!tpu.dma_semaphore, #tpu.memory_space<semaphore_mem>>
    %dma_start3A_357 = tpu.memref_squeeze %dma_start3A_356 : memref<1x!tpu.dma_semaphore, #tpu.memory_space<semaphore_mem>> -> memref<!tpu.dma_semaphore, #tpu.memory_space<semaphore_mem>>
    %dma_start3A_358 = arith.constant 0 : i32
    %dma_start3A_359 = tpu.memref_slice %arg4[%add3A_347, %dma_start3A_358] : memref<327680x32xf32, #tpu.memory_space<hbm>> -> memref<1024x32xf32, #tpu.memory_space<hbm>>
    %dma_start3A_360 = arith.constant 0 : i32
    %dma_start3A_361 = arith.constant 0 : i32
    %dma_start3A_362 = tpu.memref_slice %arg6[%dma_start3A_348, %dma_start3A_360, %dma_start3A_361] : memref<3x1024x32xf32, #tpu.memory_space<vmem>> -> memref<1x1024x32xf32, #tpu.memory_space<vmem>>
    %dma_start3A_363 = tpu.memref_squeeze %dma_start3A_362 : memref<1x1024x32xf32, #tpu.memory_space<vmem>> -> memref<1024x32xf32, #tpu.memory_space<vmem>>
    tpu.enqueue_dma source(%dma_start3A_363 : memref<1024x32xf32, #tpu.memory_space<vmem>>) target(%dma_start3A_359 : memref<1024x32xf32, #tpu.memory_space<hbm>>) target_semaphore(%dma_start3A_357 : memref<!tpu.dma_semaphore, #tpu.memory_space<semaphore_mem>>)
    %dma_wait3A_364 = arith.constant 1 : i32
    %dma_wait3A_365 = arith.constant 1 : i32
    %dma_wait3A_366 = arith.constant 0 : i32
    %dma_wait3A_367 = arith.constant 0 : i32
    %dma_wait3A_368 = tpu.memref_slice %arg6[%dma_wait3A_364, %dma_wait3A_366, %dma_wait3A_367] : memref<3x1024x32xf32, #tpu.memory_space<vmem>> -> memref<1x1024x32xf32, #tpu.memory_space<vmem>>
    %dma_wait3A_369 = tpu.memref_squeeze %dma_wait3A_368 : memref<1x1024x32xf32, #tpu.memory_space<vmem>> -> memref<1024x32xf32, #tpu.memory_space<vmem>>
    %dma_wait3A_370 = arith.constant 0 : i32
    %dma_wait3A_371 = tpu.memref_slice %arg4[%add3A_271, %dma_wait3A_370] : memref<327680x32xf32, #tpu.memory_space<hbm>> -> memref<1024x32xf32, #tpu.memory_space<hbm>>
    %dma_wait3A_372 = tpu.memref_slice %arg9[%dma_wait3A_365] : memref<3x!tpu.dma_semaphore, #tpu.memory_space<semaphore_mem>> -> memref<1x!tpu.dma_semaphore, #tpu.memory_space<semaphore_mem>>
    %dma_wait3A_373 = tpu.memref_squeeze %dma_wait3A_372 : memref<1x!tpu.dma_semaphore, #tpu.memory_space<semaphore_mem>> -> memref<!tpu.dma_semaphore, #tpu.memory_space<semaphore_mem>>
    %dma_wait3A_374 = arith.constant 0 : i32
    %dma_wait3A_375 = tpu.memref_slice %arg4[%add3A_271, %dma_wait3A_374] : memref<327680x32xf32, #tpu.memory_space<hbm>> -> memref<1024x32xf32, #tpu.memory_space<hbm>>
    %dma_wait3A_376 = arith.constant 0 : i32
    %dma_wait3A_377 = arith.constant 0 : i32
    %dma_wait3A_378 = tpu.memref_slice %arg6[%dma_wait3A_364, %dma_wait3A_376, %dma_wait3A_377] : memref<3x1024x32xf32, #tpu.memory_space<vmem>> -> memref<1x1024x32xf32, #tpu.memory_space<vmem>>
    %dma_wait3A_379 = tpu.memref_squeeze %dma_wait3A_378 : memref<1x1024x32xf32, #tpu.memory_space<vmem>> -> memref<1024x32xf32, #tpu.memory_space<vmem>>
    tpu.wait_dma2 semaphore(%dma_wait3A_373 : memref<!tpu.dma_semaphore, #tpu.memory_space<semaphore_mem>>) src(%dma_wait3A_379 : memref<1024x32xf32, #tpu.memory_space<vmem>>) dst(%dma_wait3A_375 : memref<1024x32xf32, #tpu.memory_space<hbm>>)
    %dma_wait3A_380 = arith.constant 4 : i32
    %dma_wait3A_381 = arith.constant 4 : i32
    %dma_wait3A_382 = arith.constant 0 : i32
    %dma_wait3A_383 = tpu.memref_slice %arg5[%dma_wait3A_380, %dma_wait3A_382] : memref<10x1024xi32, #tpu.memory_space<vmem>> -> memref<1x1024xi32, #tpu.memory_space<vmem>>
    %dma_wait3A_384 = tpu.memref_squeeze %dma_wait3A_383 : memref<1x1024xi32, #tpu.memory_space<vmem>> -> memref<1024xi32, #tpu.memory_space<vmem>>
    %dma_wait3A_385 = tpu.memref_slice %arg3[%add3A_59] : memref<327680xi32, #tpu.memory_space<hbm>> -> memref<1024xi32, #tpu.memory_space<hbm>>
    %dma_wait3A_386 = tpu.memref_slice %arg7[%dma_wait3A_381] : memref<10x!tpu.dma_semaphore, #tpu.memory_space<semaphore_mem>> -> memref<1x!tpu.dma_semaphore, #tpu.memory_space<semaphore_mem>>
    %dma_wait3A_387 = tpu.memref_squeeze %dma_wait3A_386 : memref<1x!tpu.dma_semaphore, #tpu.memory_space<semaphore_mem>> -> memref<!tpu.dma_semaphore, #tpu.memory_space<semaphore_mem>>
    %dma_wait3A_388 = arith.constant 0 : i32
    %dma_wait3A_389 = tpu.memref_slice %arg5[%dma_wait3A_380, %dma_wait3A_388] : memref<10x1024xi32, #tpu.memory_space<vmem>> -> memref<1x1024xi32, #tpu.memory_space<vmem>>
    %dma_wait3A_390 = tpu.memref_squeeze %dma_wait3A_389 : memref<1x1024xi32, #tpu.memory_space<vmem>> -> memref<1024xi32, #tpu.memory_space<vmem>>
    %dma_wait3A_391 = tpu.memref_slice %arg3[%add3A_59] : memref<327680xi32, #tpu.memory_space<hbm>> -> memref<1024xi32, #tpu.memory_space<hbm>>
    tpu.wait_dma2 semaphore(%dma_wait3A_387 : memref<!tpu.dma_semaphore, #tpu.memory_space<semaphore_mem>>) src(%dma_wait3A_391 : memref<1024xi32, #tpu.memory_space<hbm>>) dst(%dma_wait3A_390 : memref<1024xi32, #tpu.memory_space<vmem>>)
    %dma_start3A_392 = arith.constant 4 : i32
    %dma_start3A_393 = arith.constant 1 : i32
    %dma_start3A_394 = arith.constant 1 : i32
    %dma_start3A_395 = arith.constant 0 : i32
    %dma_start3A_396 = arith.constant 0 : i32
    %dma_start3A_397 = tpu.memref_slice %arg6[%dma_start3A_393, %dma_start3A_395, %dma_start3A_396] : memref<3x1024x32xf32, #tpu.memory_space<vmem>> -> memref<1x1024x32xf32, #tpu.memory_space<vmem>>
    %dma_start3A_398 = tpu.memref_squeeze %dma_start3A_397 : memref<1x1024x32xf32, #tpu.memory_space<vmem>> -> memref<1024x32xf32, #tpu.memory_space<vmem>>
    %dma_start3A_399 = arith.constant 0 : i32
    %dma_start3A_400 = tpu.memref_slice %arg5[%dma_start3A_392, %dma_start3A_399] : memref<10x1024xi32, #tpu.memory_space<vmem>> -> memref<1x1024xi32, #tpu.memory_space<vmem>>
    %dma_start3A_401 = tpu.memref_squeeze %dma_start3A_400 : memref<1x1024xi32, #tpu.memory_space<vmem>> -> memref<1024xi32, #tpu.memory_space<vmem>>
    %dma_start3A_402 = arith.constant 0 : i32
    %dma_start3A_403 = arith.constant 0 : i32
    %dma_start3A_404 = tpu.memref_slice %arg2[%dma_start3A_402, %dma_start3A_403] : memref<1000000x32xf32, #tpu.memory_space<hbm>> -> memref<1000000x32xf32, #tpu.memory_space<hbm>>
    %dma_start3A_405 = tpu.memref_slice %arg8[%dma_start3A_394] : memref<3x!tpu.dma_semaphore, #tpu.memory_space<semaphore_mem>> -> memref<1x!tpu.dma_semaphore, #tpu.memory_space<semaphore_mem>>
    %dma_start3A_406 = tpu.memref_squeeze %dma_start3A_405 : memref<1x!tpu.dma_semaphore, #tpu.memory_space<semaphore_mem>> -> memref<!tpu.dma_semaphore, #tpu.memory_space<semaphore_mem>>
    tpu.enqueue_indirect_dma source(%dma_start3A_404 : memref<1000000x32xf32, #tpu.memory_space<hbm>>) target(%dma_start3A_398 : memref<1024x32xf32, #tpu.memory_space<vmem>>) offsets(%dma_start3A_401 : memref<1024xi32, #tpu.memory_space<vmem>>) semaphore(%dma_start3A_406 : memref<!tpu.dma_semaphore, #tpu.memory_space<semaphore_mem>>)
    %dma_wait3A_407 = arith.constant 3 : i32
    %dma_wait3A_408 = arith.constant 0 : i32
    %dma_wait3A_409 = arith.constant 0 : i32
    %dma_wait3A_410 = arith.constant 0 : i32
    %dma_wait3A_411 = arith.constant 0 : i32
    %dma_wait3A_412 = tpu.memref_slice %arg6[%dma_wait3A_408, %dma_wait3A_410, %dma_wait3A_411] : memref<3x1024x32xf32, #tpu.memory_space<vmem>> -> memref<1x1024x32xf32, #tpu.memory_space<vmem>>
    %dma_wait3A_413 = tpu.memref_squeeze %dma_wait3A_412 : memref<1x1024x32xf32, #tpu.memory_space<vmem>> -> memref<1024x32xf32, #tpu.memory_space<vmem>>
    %dma_wait3A_414 = arith.constant 0 : i32
    %dma_wait3A_415 = tpu.memref_slice %arg5[%dma_wait3A_407, %dma_wait3A_414] : memref<10x1024xi32, #tpu.memory_space<vmem>> -> memref<1x1024xi32, #tpu.memory_space<vmem>>
    %dma_wait3A_416 = tpu.memref_squeeze %dma_wait3A_415 : memref<1x1024xi32, #tpu.memory_space<vmem>> -> memref<1024xi32, #tpu.memory_space<vmem>>
    %dma_wait3A_417 = arith.constant 0 : i32
    %dma_wait3A_418 = arith.constant 0 : i32
    %dma_wait3A_419 = tpu.memref_slice %arg2[%dma_wait3A_417, %dma_wait3A_418] : memref<1000000x32xf32, #tpu.memory_space<hbm>> -> memref<1000000x32xf32, #tpu.memory_space<hbm>>
    %dma_wait3A_420 = tpu.memref_slice %arg8[%dma_wait3A_409] : memref<3x!tpu.dma_semaphore, #tpu.memory_space<semaphore_mem>> -> memref<1x!tpu.dma_semaphore, #tpu.memory_space<semaphore_mem>>
    %dma_wait3A_421 = tpu.memref_squeeze %dma_wait3A_420 : memref<1x!tpu.dma_semaphore, #tpu.memory_space<semaphore_mem>> -> memref<!tpu.dma_semaphore, #tpu.memory_space<semaphore_mem>>
    tpu.wait_indirect_dma semaphore(%dma_wait3A_421 : memref<!tpu.dma_semaphore, #tpu.memory_space<semaphore_mem>>) src(%dma_wait3A_419 : memref<1000000x32xf32, #tpu.memory_space<hbm>>) dst(%dma_wait3A_413 : memref<1024x32xf32, #tpu.memory_space<vmem>>)
    %add3A_422 = arith.constant 3072 : i32
    %add3A_423 = arith.addi %mul3A_2, %add3A_422 : i32
    %dma_start3A_424 = arith.constant 0 : i32
    %dma_start3A_425 = arith.constant 0 : i32
    %dma_start3A_426 = arith.constant 0 : i32
    %dma_start3A_427 = arith.constant 0 : i32
    %dma_start3A_428 = tpu.memref_slice %arg6[%dma_start3A_424, %dma_start3A_426, %dma_start3A_427] : memref<3x1024x32xf32, #tpu.memory_space<vmem>> -> memref<1x1024x32xf32, #tpu.memory_space<vmem>>
    %dma_start3A_429 = tpu.memref_squeeze %dma_start3A_428 : memref<1x1024x32xf32, #tpu.memory_space<vmem>> -> memref<1024x32xf32, #tpu.memory_space<vmem>>
    %dma_start3A_430 = arith.constant 0 : i32
    %dma_start3A_431 = tpu.memref_slice %arg4[%add3A_423, %dma_start3A_430] : memref<327680x32xf32, #tpu.memory_space<hbm>> -> memref<1024x32xf32, #tpu.memory_space<hbm>>
    %dma_start3A_432 = tpu.memref_slice %arg9[%dma_start3A_425] : memref<3x!tpu.dma_semaphore, #tpu.memory_space<semaphore_mem>> -> memref<1x!tpu.dma_semaphore, #tpu.memory_space<semaphore_mem>>
    %dma_start3A_433 = tpu.memref_squeeze %dma_start3A_432 : memref<1x!tpu.dma_semaphore, #tpu.memory_space<semaphore_mem>> -> memref<!tpu.dma_semaphore, #tpu.memory_space<semaphore_mem>>
    %dma_start3A_434 = arith.constant 0 : i32
    %dma_start3A_435 = tpu.memref_slice %arg4[%add3A_423, %dma_start3A_434] : memref<327680x32xf32, #tpu.memory_space<hbm>> -> memref<1024x32xf32, #tpu.memory_space<hbm>>
    %dma_start3A_436 = arith.constant 0 : i32
    %dma_start3A_437 = arith.constant 0 : i32
    %dma_start3A_438 = tpu.memref_slice %arg6[%dma_start3A_424, %dma_start3A_436, %dma_start3A_437] : memref<3x1024x32xf32, #tpu.memory_space<vmem>> -> memref<1x1024x32xf32, #tpu.memory_space<vmem>>
    %dma_start3A_439 = tpu.memref_squeeze %dma_start3A_438 : memref<1x1024x32xf32, #tpu.memory_space<vmem>> -> memref<1024x32xf32, #tpu.memory_space<vmem>>
    tpu.enqueue_dma source(%dma_start3A_439 : memref<1024x32xf32, #tpu.memory_space<vmem>>) target(%dma_start3A_435 : memref<1024x32xf32, #tpu.memory_space<hbm>>) target_semaphore(%dma_start3A_433 : memref<!tpu.dma_semaphore, #tpu.memory_space<semaphore_mem>>)
    %dma_wait3A_440 = arith.constant 2 : i32
    %dma_wait3A_441 = arith.constant 2 : i32
    %dma_wait3A_442 = arith.constant 0 : i32
    %dma_wait3A_443 = arith.constant 0 : i32
    %dma_wait3A_444 = tpu.memref_slice %arg6[%dma_wait3A_440, %dma_wait3A_442, %dma_wait3A_443] : memref<3x1024x32xf32, #tpu.memory_space<vmem>> -> memref<1x1024x32xf32, #tpu.memory_space<vmem>>
    %dma_wait3A_445 = tpu.memref_squeeze %dma_wait3A_444 : memref<1x1024x32xf32, #tpu.memory_space<vmem>> -> memref<1024x32xf32, #tpu.memory_space<vmem>>
    %dma_wait3A_446 = arith.constant 0 : i32
    %dma_wait3A_447 = tpu.memref_slice %arg4[%add3A_347, %dma_wait3A_446] : memref<327680x32xf32, #tpu.memory_space<hbm>> -> memref<1024x32xf32, #tpu.memory_space<hbm>>
    %dma_wait3A_448 = tpu.memref_slice %arg9[%dma_wait3A_441] : memref<3x!tpu.dma_semaphore, #tpu.memory_space<semaphore_mem>> -> memref<1x!tpu.dma_semaphore, #tpu.memory_space<semaphore_mem>>
    %dma_wait3A_449 = tpu.memref_squeeze %dma_wait3A_448 : memref<1x!tpu.dma_semaphore, #tpu.memory_space<semaphore_mem>> -> memref<!tpu.dma_semaphore, #tpu.memory_space<semaphore_mem>>
    %dma_wait3A_450 = arith.constant 0 : i32
    %dma_wait3A_451 = tpu.memref_slice %arg4[%add3A_347, %dma_wait3A_450] : memref<327680x32xf32, #tpu.memory_space<hbm>> -> memref<1024x32xf32, #tpu.memory_space<hbm>>
    %dma_wait3A_452 = arith.constant 0 : i32
    %dma_wait3A_453 = arith.constant 0 : i32
    %dma_wait3A_454 = tpu.memref_slice %arg6[%dma_wait3A_440, %dma_wait3A_452, %dma_wait3A_453] : memref<3x1024x32xf32, #tpu.memory_space<vmem>> -> memref<1x1024x32xf32, #tpu.memory_space<vmem>>
    %dma_wait3A_455 = tpu.memref_squeeze %dma_wait3A_454 : memref<1x1024x32xf32, #tpu.memory_space<vmem>> -> memref<1024x32xf32, #tpu.memory_space<vmem>>
    tpu.wait_dma2 semaphore(%dma_wait3A_449 : memref<!tpu.dma_semaphore, #tpu.memory_space<semaphore_mem>>) src(%dma_wait3A_455 : memref<1024x32xf32, #tpu.memory_space<vmem>>) dst(%dma_wait3A_451 : memref<1024x32xf32, #tpu.memory_space<hbm>>)
    %dma_wait3A_456 = arith.constant 5 : i32
    %dma_wait3A_457 = arith.constant 5 : i32
    %dma_wait3A_458 = arith.constant 0 : i32
    %dma_wait3A_459 = tpu.memref_slice %arg5[%dma_wait3A_456, %dma_wait3A_458] : memref<10x1024xi32, #tpu.memory_space<vmem>> -> memref<1x1024xi32, #tpu.memory_space<vmem>>
    %dma_wait3A_460 = tpu.memref_squeeze %dma_wait3A_459 : memref<1x1024xi32, #tpu.memory_space<vmem>> -> memref<1024xi32, #tpu.memory_space<vmem>>
    %dma_wait3A_461 = tpu.memref_slice %arg3[%add3A_73] : memref<327680xi32, #tpu.memory_space<hbm>> -> memref<1024xi32, #tpu.memory_space<hbm>>
    %dma_wait3A_462 = tpu.memref_slice %arg7[%dma_wait3A_457] : memref<10x!tpu.dma_semaphore, #tpu.memory_space<semaphore_mem>> -> memref<1x!tpu.dma_semaphore, #tpu.memory_space<semaphore_mem>>
    %dma_wait3A_463 = tpu.memref_squeeze %dma_wait3A_462 : memref<1x!tpu.dma_semaphore, #tpu.memory_space<semaphore_mem>> -> memref<!tpu.dma_semaphore, #tpu.memory_space<semaphore_mem>>
    %dma_wait3A_464 = arith.constant 0 : i32
    %dma_wait3A_465 = tpu.memref_slice %arg5[%dma_wait3A_456, %dma_wait3A_464] : memref<10x1024xi32, #tpu.memory_space<vmem>> -> memref<1x1024xi32, #tpu.memory_space<vmem>>
    %dma_wait3A_466 = tpu.memref_squeeze %dma_wait3A_465 : memref<1x1024xi32, #tpu.memory_space<vmem>> -> memref<1024xi32, #tpu.memory_space<vmem>>
    %dma_wait3A_467 = tpu.memref_slice %arg3[%add3A_73] : memref<327680xi32, #tpu.memory_space<hbm>> -> memref<1024xi32, #tpu.memory_space<hbm>>
    tpu.wait_dma2 semaphore(%dma_wait3A_463 : memref<!tpu.dma_semaphore, #tpu.memory_space<semaphore_mem>>) src(%dma_wait3A_467 : memref<1024xi32, #tpu.memory_space<hbm>>) dst(%dma_wait3A_466 : memref<1024xi32, #tpu.memory_space<vmem>>)
    %dma_start3A_468 = arith.constant 5 : i32
    %dma_start3A_469 = arith.constant 2 : i32
    %dma_start3A_470 = arith.constant 2 : i32
    %dma_start3A_471 = arith.constant 0 : i32
    %dma_start3A_472 = arith.constant 0 : i32
    %dma_start3A_473 = tpu.memref_slice %arg6[%dma_start3A_469, %dma_start3A_471, %dma_start3A_472] : memref<3x1024x32xf32, #tpu.memory_space<vmem>> -> memref<1x1024x32xf32, #tpu.memory_space<vmem>>
    %dma_start3A_474 = tpu.memref_squeeze %dma_start3A_473 : memref<1x1024x32xf32, #tpu.memory_space<vmem>> -> memref<1024x32xf32, #tpu.memory_space<vmem>>
    %dma_start3A_475 = arith.constant 0 : i32
    %dma_start3A_476 = tpu.memref_slice %arg5[%dma_start3A_468, %dma_start3A_475] : memref<10x1024xi32, #tpu.memory_space<vmem>> -> memref<1x1024xi32, #tpu.memory_space<vmem>>
    %dma_start3A_477 = tpu.memref_squeeze %dma_start3A_476 : memref<1x1024xi32, #tpu.memory_space<vmem>> -> memref<1024xi32, #tpu.memory_space<vmem>>
    %dma_start3A_478 = arith.constant 0 : i32
    %dma_start3A_479 = arith.constant 0 : i32
    %dma_start3A_480 = tpu.memref_slice %arg2[%dma_start3A_478, %dma_start3A_479] : memref<1000000x32xf32, #tpu.memory_space<hbm>> -> memref<1000000x32xf32, #tpu.memory_space<hbm>>
    %dma_start3A_481 = tpu.memref_slice %arg8[%dma_start3A_470] : memref<3x!tpu.dma_semaphore, #tpu.memory_space<semaphore_mem>> -> memref<1x!tpu.dma_semaphore, #tpu.memory_space<semaphore_mem>>
    %dma_start3A_482 = tpu.memref_squeeze %dma_start3A_481 : memref<1x!tpu.dma_semaphore, #tpu.memory_space<semaphore_mem>> -> memref<!tpu.dma_semaphore, #tpu.memory_space<semaphore_mem>>
    tpu.enqueue_indirect_dma source(%dma_start3A_480 : memref<1000000x32xf32, #tpu.memory_space<hbm>>) target(%dma_start3A_474 : memref<1024x32xf32, #tpu.memory_space<vmem>>) offsets(%dma_start3A_477 : memref<1024xi32, #tpu.memory_space<vmem>>) semaphore(%dma_start3A_482 : memref<!tpu.dma_semaphore, #tpu.memory_space<semaphore_mem>>)
    %dma_wait3A_483 = arith.constant 4 : i32
    %dma_wait3A_484 = arith.constant 1 : i32
    %dma_wait3A_485 = arith.constant 1 : i32
    %dma_wait3A_486 = arith.constant 0 : i32
    %dma_wait3A_487 = arith.constant 0 : i32
    %dma_wait3A_488 = tpu.memref_slice %arg6[%dma_wait3A_484, %dma_wait3A_486, %dma_wait3A_487] : memref<3x1024x32xf32, #tpu.memory_space<vmem>> -> memref<1x1024x32xf32, #tpu.memory_space<vmem>>
    %dma_wait3A_489 = tpu.memref_squeeze %dma_wait3A_488 : memref<1x1024x32xf32, #tpu.memory_space<vmem>> -> memref<1024x32xf32, #tpu.memory_space<vmem>>
    %dma_wait3A_490 = arith.constant 0 : i32
    %dma_wait3A_491 = tpu.memref_slice %arg5[%dma_wait3A_483, %dma_wait3A_490] : memref<10x1024xi32, #tpu.memory_space<vmem>> -> memref<1x1024xi32, #tpu.memory_space<vmem>>
    %dma_wait3A_492 = tpu.memref_squeeze %dma_wait3A_491 : memref<1x1024xi32, #tpu.memory_space<vmem>> -> memref<1024xi32, #tpu.memory_space<vmem>>
    %dma_wait3A_493 = arith.constant 0 : i32
    %dma_wait3A_494 = arith.constant 0 : i32
    %dma_wait3A_495 = tpu.memref_slice %arg2[%dma_wait3A_493, %dma_wait3A_494] : memref<1000000x32xf32, #tpu.memory_space<hbm>> -> memref<1000000x32xf32, #tpu.memory_space<hbm>>
    %dma_wait3A_496 = tpu.memref_slice %arg8[%dma_wait3A_485] : memref<3x!tpu.dma_semaphore, #tpu.memory_space<semaphore_mem>> -> memref<1x!tpu.dma_semaphore, #tpu.memory_space<semaphore_mem>>
    %dma_wait3A_497 = tpu.memref_squeeze %dma_wait3A_496 : memref<1x!tpu.dma_semaphore, #tpu.memory_space<semaphore_mem>> -> memref<!tpu.dma_semaphore, #tpu.memory_space<semaphore_mem>>
    tpu.wait_indirect_dma semaphore(%dma_wait3A_497 : memref<!tpu.dma_semaphore, #tpu.memory_space<semaphore_mem>>) src(%dma_wait3A_495 : memref<1000000x32xf32, #tpu.memory_space<hbm>>) dst(%dma_wait3A_489 : memref<1024x32xf32, #tpu.memory_space<vmem>>)
    %add3A_498 = arith.constant 4096 : i32
    %add3A_499 = arith.addi %mul3A_2, %add3A_498 : i32
    %dma_start3A_500 = arith.constant 1 : i32
    %dma_start3A_501 = arith.constant 1 : i32
    %dma_start3A_502 = arith.constant 0 : i32
    %dma_start3A_503 = arith.constant 0 : i32
    %dma_start3A_504 = tpu.memref_slice %arg6[%dma_start3A_500, %dma_start3A_502, %dma_start3A_503] : memref<3x1024x32xf32, #tpu.memory_space<vmem>> -> memref<1x1024x32xf32, #tpu.memory_space<vmem>>
    %dma_start3A_505 = tpu.memref_squeeze %dma_start3A_504 : memref<1x1024x32xf32, #tpu.memory_space<vmem>> -> memref<1024x32xf32, #tpu.memory_space<vmem>>
    %dma_start3A_506 = arith.constant 0 : i32
    %dma_start3A_507 = tpu.memref_slice %arg4[%add3A_499, %dma_start3A_506] : memref<327680x32xf32, #tpu.memory_space<hbm>> -> memref<1024x32xf32, #tpu.memory_space<hbm>>
    %dma_start3A_508 = tpu.memref_slice %arg9[%dma_start3A_501] : memref<3x!tpu.dma_semaphore, #tpu.memory_space<semaphore_mem>> -> memref<1x!tpu.dma_semaphore, #tpu.memory_space<semaphore_mem>>
    %dma_start3A_509 = tpu.memref_squeeze %dma_start3A_508 : memref<1x!tpu.dma_semaphore, #tpu.memory_space<semaphore_mem>> -> memref<!tpu.dma_semaphore, #tpu.memory_space<semaphore_mem>>
    %dma_start3A_510 = arith.constant 0 : i32
    %dma_start3A_511 = tpu.memref_slice %arg4[%add3A_499, %dma_start3A_510] : memref<327680x32xf32, #tpu.memory_space<hbm>> -> memref<1024x32xf32, #tpu.memory_space<hbm>>
    %dma_start3A_512 = arith.constant 0 : i32
    %dma_start3A_513 = arith.constant 0 : i32
    %dma_start3A_514 = tpu.memref_slice %arg6[%dma_start3A_500, %dma_start3A_512, %dma_start3A_513] : memref<3x1024x32xf32, #tpu.memory_space<vmem>> -> memref<1x1024x32xf32, #tpu.memory_space<vmem>>
    %dma_start3A_515 = tpu.memref_squeeze %dma_start3A_514 : memref<1x1024x32xf32, #tpu.memory_space<vmem>> -> memref<1024x32xf32, #tpu.memory_space<vmem>>
    tpu.enqueue_dma source(%dma_start3A_515 : memref<1024x32xf32, #tpu.memory_space<vmem>>) target(%dma_start3A_511 : memref<1024x32xf32, #tpu.memory_space<hbm>>) target_semaphore(%dma_start3A_509 : memref<!tpu.dma_semaphore, #tpu.memory_space<semaphore_mem>>)
    %dma_wait3A_516 = arith.constant 0 : i32
    %dma_wait3A_517 = arith.constant 0 : i32
    %dma_wait3A_518 = arith.constant 0 : i32
    %dma_wait3A_519 = arith.constant 0 : i32
    %dma_wait3A_520 = tpu.memref_slice %arg6[%dma_wait3A_516, %dma_wait3A_518, %dma_wait3A_519] : memref<3x1024x32xf32, #tpu.memory_space<vmem>> -> memref<1x1024x32xf32, #tpu.memory_space<vmem>>
    %dma_wait3A_521 = tpu.memref_squeeze %dma_wait3A_520 : memref<1x1024x32xf32, #tpu.memory_space<vmem>> -> memref<1024x32xf32, #tpu.memory_space<vmem>>
    %dma_wait3A_522 = arith.constant 0 : i32
    %dma_wait3A_523 = tpu.memref_slice %arg4[%add3A_423, %dma_wait3A_522] : memref<327680x32xf32, #tpu.memory_space<hbm>> -> memref<1024x32xf32, #tpu.memory_space<hbm>>
    %dma_wait3A_524 = tpu.memref_slice %arg9[%dma_wait3A_517] : memref<3x!tpu.dma_semaphore, #tpu.memory_space<semaphore_mem>> -> memref<1x!tpu.dma_semaphore, #tpu.memory_space<semaphore_mem>>
    %dma_wait3A_525 = tpu.memref_squeeze %dma_wait3A_524 : memref<1x!tpu.dma_semaphore, #tpu.memory_space<semaphore_mem>> -> memref<!tpu.dma_semaphore, #tpu.memory_space<semaphore_mem>>
    %dma_wait3A_526 = arith.constant 0 : i32
    %dma_wait3A_527 = tpu.memref_slice %arg4[%add3A_423, %dma_wait3A_526] : memref<327680x32xf32, #tpu.memory_space<hbm>> -> memref<1024x32xf32, #tpu.memory_space<hbm>>
    %dma_wait3A_528 = arith.constant 0 : i32
    %dma_wait3A_529 = arith.constant 0 : i32
    %dma_wait3A_530 = tpu.memref_slice %arg6[%dma_wait3A_516, %dma_wait3A_528, %dma_wait3A_529] : memref<3x1024x32xf32, #tpu.memory_space<vmem>> -> memref<1x1024x32xf32, #tpu.memory_space<vmem>>
    %dma_wait3A_531 = tpu.memref_squeeze %dma_wait3A_530 : memref<1x1024x32xf32, #tpu.memory_space<vmem>> -> memref<1024x32xf32, #tpu.memory_space<vmem>>
    tpu.wait_dma2 semaphore(%dma_wait3A_525 : memref<!tpu.dma_semaphore, #tpu.memory_space<semaphore_mem>>) src(%dma_wait3A_531 : memref<1024x32xf32, #tpu.memory_space<vmem>>) dst(%dma_wait3A_527 : memref<1024x32xf32, #tpu.memory_space<hbm>>)
    %dma_wait3A_532 = arith.constant 6 : i32
    %dma_wait3A_533 = arith.constant 6 : i32
    %dma_wait3A_534 = arith.constant 0 : i32
    %dma_wait3A_535 = tpu.memref_slice %arg5[%dma_wait3A_532, %dma_wait3A_534] : memref<10x1024xi32, #tpu.memory_space<vmem>> -> memref<1x1024xi32, #tpu.memory_space<vmem>>
    %dma_wait3A_536 = tpu.memref_squeeze %dma_wait3A_535 : memref<1x1024xi32, #tpu.memory_space<vmem>> -> memref<1024xi32, #tpu.memory_space<vmem>>
    %dma_wait3A_537 = tpu.memref_slice %arg3[%add3A_87] : memref<327680xi32, #tpu.memory_space<hbm>> -> memref<1024xi32, #tpu.memory_space<hbm>>
    %dma_wait3A_538 = tpu.memref_slice %arg7[%dma_wait3A_533] : memref<10x!tpu.dma_semaphore, #tpu.memory_space<semaphore_mem>> -> memref<1x!tpu.dma_semaphore, #tpu.memory_space<semaphore_mem>>
    %dma_wait3A_539 = tpu.memref_squeeze %dma_wait3A_538 : memref<1x!tpu.dma_semaphore, #tpu.memory_space<semaphore_mem>> -> memref<!tpu.dma_semaphore, #tpu.memory_space<semaphore_mem>>
    %dma_wait3A_540 = arith.constant 0 : i32
    %dma_wait3A_541 = tpu.memref_slice %arg5[%dma_wait3A_532, %dma_wait3A_540] : memref<10x1024xi32, #tpu.memory_space<vmem>> -> memref<1x1024xi32, #tpu.memory_space<vmem>>
    %dma_wait3A_542 = tpu.memref_squeeze %dma_wait3A_541 : memref<1x1024xi32, #tpu.memory_space<vmem>> -> memref<1024xi32, #tpu.memory_space<vmem>>
    %dma_wait3A_543 = tpu.memref_slice %arg3[%add3A_87] : memref<327680xi32, #tpu.memory_space<hbm>> -> memref<1024xi32, #tpu.memory_space<hbm>>
    tpu.wait_dma2 semaphore(%dma_wait3A_539 : memref<!tpu.dma_semaphore, #tpu.memory_space<semaphore_mem>>) src(%dma_wait3A_543 : memref<1024xi32, #tpu.memory_space<hbm>>) dst(%dma_wait3A_542 : memref<1024xi32, #tpu.memory_space<vmem>>)
    %dma_start3A_544 = arith.constant 6 : i32
    %dma_start3A_545 = arith.constant 0 : i32
    %dma_start3A_546 = arith.constant 0 : i32
    %dma_start3A_547 = arith.constant 0 : i32
    %dma_start3A_548 = arith.constant 0 : i32
    %dma_start3A_549 = tpu.memref_slice %arg6[%dma_start3A_545, %dma_start3A_547, %dma_start3A_548] : memref<3x1024x32xf32, #tpu.memory_space<vmem>> -> memref<1x1024x32xf32, #tpu.memory_space<vmem>>
    %dma_start3A_550 = tpu.memref_squeeze %dma_start3A_549 : memref<1x1024x32xf32, #tpu.memory_space<vmem>> -> memref<1024x32xf32, #tpu.memory_space<vmem>>
    %dma_start3A_551 = arith.constant 0 : i32
    %dma_start3A_552 = tpu.memref_slice %arg5[%dma_start3A_544, %dma_start3A_551] : memref<10x1024xi32, #tpu.memory_space<vmem>> -> memref<1x1024xi32, #tpu.memory_space<vmem>>
    %dma_start3A_553 = tpu.memref_squeeze %dma_start3A_552 : memref<1x1024xi32, #tpu.memory_space<vmem>> -> memref<1024xi32, #tpu.memory_space<vmem>>
    %dma_start3A_554 = arith.constant 0 : i32
    %dma_start3A_555 = arith.constant 0 : i32
    %dma_start3A_556 = tpu.memref_slice %arg2[%dma_start3A_554, %dma_start3A_555] : memref<1000000x32xf32, #tpu.memory_space<hbm>> -> memref<1000000x32xf32, #tpu.memory_space<hbm>>
    %dma_start3A_557 = tpu.memref_slice %arg8[%dma_start3A_546] : memref<3x!tpu.dma_semaphore, #tpu.memory_space<semaphore_mem>> -> memref<1x!tpu.dma_semaphore, #tpu.memory_space<semaphore_mem>>
    %dma_start3A_558 = tpu.memref_squeeze %dma_start3A_557 : memref<1x!tpu.dma_semaphore, #tpu.memory_space<semaphore_mem>> -> memref<!tpu.dma_semaphore, #tpu.memory_space<semaphore_mem>>
    tpu.enqueue_indirect_dma source(%dma_start3A_556 : memref<1000000x32xf32, #tpu.memory_space<hbm>>) target(%dma_start3A_550 : memref<1024x32xf32, #tpu.memory_space<vmem>>) offsets(%dma_start3A_553 : memref<1024xi32, #tpu.memory_space<vmem>>) semaphore(%dma_start3A_558 : memref<!tpu.dma_semaphore, #tpu.memory_space<semaphore_mem>>)
    %dma_wait3A_559 = arith.constant 5 : i32
    %dma_wait3A_560 = arith.constant 2 : i32
    %dma_wait3A_561 = arith.constant 2 : i32
    %dma_wait3A_562 = arith.constant 0 : i32
    %dma_wait3A_563 = arith.constant 0 : i32
    %dma_wait3A_564 = tpu.memref_slice %arg6[%dma_wait3A_560, %dma_wait3A_562, %dma_wait3A_563] : memref<3x1024x32xf32, #tpu.memory_space<vmem>> -> memref<1x1024x32xf32, #tpu.memory_space<vmem>>
    %dma_wait3A_565 = tpu.memref_squeeze %dma_wait3A_564 : memref<1x1024x32xf32, #tpu.memory_space<vmem>> -> memref<1024x32xf32, #tpu.memory_space<vmem>>
    %dma_wait3A_566 = arith.constant 0 : i32
    %dma_wait3A_567 = tpu.memref_slice %arg5[%dma_wait3A_559, %dma_wait3A_566] : memref<10x1024xi32, #tpu.memory_space<vmem>> -> memref<1x1024xi32, #tpu.memory_space<vmem>>
    %dma_wait3A_568 = tpu.memref_squeeze %dma_wait3A_567 : memref<1x1024xi32, #tpu.memory_space<vmem>> -> memref<1024xi32, #tpu.memory_space<vmem>>
    %dma_wait3A_569 = arith.constant 0 : i32
    %dma_wait3A_570 = arith.constant 0 : i32
    %dma_wait3A_571 = tpu.memref_slice %arg2[%dma_wait3A_569, %dma_wait3A_570] : memref<1000000x32xf32, #tpu.memory_space<hbm>> -> memref<1000000x32xf32, #tpu.memory_space<hbm>>
    %dma_wait3A_572 = tpu.memref_slice %arg8[%dma_wait3A_561] : memref<3x!tpu.dma_semaphore, #tpu.memory_space<semaphore_mem>> -> memref<1x!tpu.dma_semaphore, #tpu.memory_space<semaphore_mem>>
    %dma_wait3A_573 = tpu.memref_squeeze %dma_wait3A_572 : memref<1x!tpu.dma_semaphore, #tpu.memory_space<semaphore_mem>> -> memref<!tpu.dma_semaphore, #tpu.memory_space<semaphore_mem>>
    tpu.wait_indirect_dma semaphore(%dma_wait3A_573 : memref<!tpu.dma_semaphore, #tpu.memory_space<semaphore_mem>>) src(%dma_wait3A_571 : memref<1000000x32xf32, #tpu.memory_space<hbm>>) dst(%dma_wait3A_565 : memref<1024x32xf32, #tpu.memory_space<vmem>>)
    %add3A_574 = arith.constant 5120 : i32
    %add3A_575 = arith.addi %mul3A_2, %add3A_574 : i32
    %dma_start3A_576 = arith.constant 2 : i32
    %dma_start3A_577 = arith.constant 2 : i32
    %dma_start3A_578 = arith.constant 0 : i32
    %dma_start3A_579 = arith.constant 0 : i32
    %dma_start3A_580 = tpu.memref_slice %arg6[%dma_start3A_576, %dma_start3A_578, %dma_start3A_579] : memref<3x1024x32xf32, #tpu.memory_space<vmem>> -> memref<1x1024x32xf32, #tpu.memory_space<vmem>>
    %dma_start3A_581 = tpu.memref_squeeze %dma_start3A_580 : memref<1x1024x32xf32, #tpu.memory_space<vmem>> -> memref<1024x32xf32, #tpu.memory_space<vmem>>
    %dma_start3A_582 = arith.constant 0 : i32
    %dma_start3A_583 = tpu.memref_slice %arg4[%add3A_575, %dma_start3A_582] : memref<327680x32xf32, #tpu.memory_space<hbm>> -> memref<1024x32xf32, #tpu.memory_space<hbm>>
    %dma_start3A_584 = tpu.memref_slice %arg9[%dma_start3A_577] : memref<3x!tpu.dma_semaphore, #tpu.memory_space<semaphore_mem>> -> memref<1x!tpu.dma_semaphore, #tpu.memory_space<semaphore_mem>>
    %dma_start3A_585 = tpu.memref_squeeze %dma_start3A_584 : memref<1x!tpu.dma_semaphore, #tpu.memory_space<semaphore_mem>> -> memref<!tpu.dma_semaphore, #tpu.memory_space<semaphore_mem>>
    %dma_start3A_586 = arith.constant 0 : i32
    %dma_start3A_587 = tpu.memref_slice %arg4[%add3A_575, %dma_start3A_586] : memref<327680x32xf32, #tpu.memory_space<hbm>> -> memref<1024x32xf32, #tpu.memory_space<hbm>>
    %dma_start3A_588 = arith.constant 0 : i32
    %dma_start3A_589 = arith.constant 0 : i32
    %dma_start3A_590 = tpu.memref_slice %arg6[%dma_start3A_576, %dma_start3A_588, %dma_start3A_589] : memref<3x1024x32xf32, #tpu.memory_space<vmem>> -> memref<1x1024x32xf32, #tpu.memory_space<vmem>>
    %dma_start3A_591 = tpu.memref_squeeze %dma_start3A_590 : memref<1x1024x32xf32, #tpu.memory_space<vmem>> -> memref<1024x32xf32, #tpu.memory_space<vmem>>
    tpu.enqueue_dma source(%dma_start3A_591 : memref<1024x32xf32, #tpu.memory_space<vmem>>) target(%dma_start3A_587 : memref<1024x32xf32, #tpu.memory_space<hbm>>) target_semaphore(%dma_start3A_585 : memref<!tpu.dma_semaphore, #tpu.memory_space<semaphore_mem>>)
    %dma_wait3A_592 = arith.constant 1 : i32
    %dma_wait3A_593 = arith.constant 1 : i32
    %dma_wait3A_594 = arith.constant 0 : i32
    %dma_wait3A_595 = arith.constant 0 : i32
    %dma_wait3A_596 = tpu.memref_slice %arg6[%dma_wait3A_592, %dma_wait3A_594, %dma_wait3A_595] : memref<3x1024x32xf32, #tpu.memory_space<vmem>> -> memref<1x1024x32xf32, #tpu.memory_space<vmem>>
    %dma_wait3A_597 = tpu.memref_squeeze %dma_wait3A_596 : memref<1x1024x32xf32, #tpu.memory_space<vmem>> -> memref<1024x32xf32, #tpu.memory_space<vmem>>
    %dma_wait3A_598 = arith.constant 0 : i32
    %dma_wait3A_599 = tpu.memref_slice %arg4[%add3A_499, %dma_wait3A_598] : memref<327680x32xf32, #tpu.memory_space<hbm>> -> memref<1024x32xf32, #tpu.memory_space<hbm>>
    %dma_wait3A_600 = tpu.memref_slice %arg9[%dma_wait3A_593] : memref<3x!tpu.dma_semaphore, #tpu.memory_space<semaphore_mem>> -> memref<1x!tpu.dma_semaphore, #tpu.memory_space<semaphore_mem>>
    %dma_wait3A_601 = tpu.memref_squeeze %dma_wait3A_600 : memref<1x!tpu.dma_semaphore, #tpu.memory_space<semaphore_mem>> -> memref<!tpu.dma_semaphore, #tpu.memory_space<semaphore_mem>>
    %dma_wait3A_602 = arith.constant 0 : i32
    %dma_wait3A_603 = tpu.memref_slice %arg4[%add3A_499, %dma_wait3A_602] : memref<327680x32xf32, #tpu.memory_space<hbm>> -> memref<1024x32xf32, #tpu.memory_space<hbm>>
    %dma_wait3A_604 = arith.constant 0 : i32
    %dma_wait3A_605 = arith.constant 0 : i32
    %dma_wait3A_606 = tpu.memref_slice %arg6[%dma_wait3A_592, %dma_wait3A_604, %dma_wait3A_605] : memref<3x1024x32xf32, #tpu.memory_space<vmem>> -> memref<1x1024x32xf32, #tpu.memory_space<vmem>>
    %dma_wait3A_607 = tpu.memref_squeeze %dma_wait3A_606 : memref<1x1024x32xf32, #tpu.memory_space<vmem>> -> memref<1024x32xf32, #tpu.memory_space<vmem>>
    tpu.wait_dma2 semaphore(%dma_wait3A_601 : memref<!tpu.dma_semaphore, #tpu.memory_space<semaphore_mem>>) src(%dma_wait3A_607 : memref<1024x32xf32, #tpu.memory_space<vmem>>) dst(%dma_wait3A_603 : memref<1024x32xf32, #tpu.memory_space<hbm>>)
    %dma_wait3A_608 = arith.constant 7 : i32
    %dma_wait3A_609 = arith.constant 7 : i32
    %dma_wait3A_610 = arith.constant 0 : i32
    %dma_wait3A_611 = tpu.memref_slice %arg5[%dma_wait3A_608, %dma_wait3A_610] : memref<10x1024xi32, #tpu.memory_space<vmem>> -> memref<1x1024xi32, #tpu.memory_space<vmem>>
    %dma_wait3A_612 = tpu.memref_squeeze %dma_wait3A_611 : memref<1x1024xi32, #tpu.memory_space<vmem>> -> memref<1024xi32, #tpu.memory_space<vmem>>
    %dma_wait3A_613 = tpu.memref_slice %arg3[%add3A_101] : memref<327680xi32, #tpu.memory_space<hbm>> -> memref<1024xi32, #tpu.memory_space<hbm>>
    %dma_wait3A_614 = tpu.memref_slice %arg7[%dma_wait3A_609] : memref<10x!tpu.dma_semaphore, #tpu.memory_space<semaphore_mem>> -> memref<1x!tpu.dma_semaphore, #tpu.memory_space<semaphore_mem>>
    %dma_wait3A_615 = tpu.memref_squeeze %dma_wait3A_614 : memref<1x!tpu.dma_semaphore, #tpu.memory_space<semaphore_mem>> -> memref<!tpu.dma_semaphore, #tpu.memory_space<semaphore_mem>>
    %dma_wait3A_616 = arith.constant 0 : i32
    %dma_wait3A_617 = tpu.memref_slice %arg5[%dma_wait3A_608, %dma_wait3A_616] : memref<10x1024xi32, #tpu.memory_space<vmem>> -> memref<1x1024xi32, #tpu.memory_space<vmem>>
    %dma_wait3A_618 = tpu.memref_squeeze %dma_wait3A_617 : memref<1x1024xi32, #tpu.memory_space<vmem>> -> memref<1024xi32, #tpu.memory_space<vmem>>
    %dma_wait3A_619 = tpu.memref_slice %arg3[%add3A_101] : memref<327680xi32, #tpu.memory_space<hbm>> -> memref<1024xi32, #tpu.memory_space<hbm>>
    tpu.wait_dma2 semaphore(%dma_wait3A_615 : memref<!tpu.dma_semaphore, #tpu.memory_space<semaphore_mem>>) src(%dma_wait3A_619 : memref<1024xi32, #tpu.memory_space<hbm>>) dst(%dma_wait3A_618 : memref<1024xi32, #tpu.memory_space<vmem>>)
    %dma_start3A_620 = arith.constant 7 : i32
    %dma_start3A_621 = arith.constant 1 : i32
    %dma_start3A_622 = arith.constant 1 : i32
    %dma_start3A_623 = arith.constant 0 : i32
    %dma_start3A_624 = arith.constant 0 : i32
    %dma_start3A_625 = tpu.memref_slice %arg6[%dma_start3A_621, %dma_start3A_623, %dma_start3A_624] : memref<3x1024x32xf32, #tpu.memory_space<vmem>> -> memref<1x1024x32xf32, #tpu.memory_space<vmem>>
    %dma_start3A_626 = tpu.memref_squeeze %dma_start3A_625 : memref<1x1024x32xf32, #tpu.memory_space<vmem>> -> memref<1024x32xf32, #tpu.memory_space<vmem>>
    %dma_start3A_627 = arith.constant 0 : i32
    %dma_start3A_628 = tpu.memref_slice %arg5[%dma_start3A_620, %dma_start3A_627] : memref<10x1024xi32, #tpu.memory_space<vmem>> -> memref<1x1024xi32, #tpu.memory_space<vmem>>
    %dma_start3A_629 = tpu.memref_squeeze %dma_start3A_628 : memref<1x1024xi32, #tpu.memory_space<vmem>> -> memref<1024xi32, #tpu.memory_space<vmem>>
    %dma_start3A_630 = arith.constant 0 : i32
    %dma_start3A_631 = arith.constant 0 : i32
    %dma_start3A_632 = tpu.memref_slice %arg2[%dma_start3A_630, %dma_start3A_631] : memref<1000000x32xf32, #tpu.memory_space<hbm>> -> memref<1000000x32xf32, #tpu.memory_space<hbm>>
    %dma_start3A_633 = tpu.memref_slice %arg8[%dma_start3A_622] : memref<3x!tpu.dma_semaphore, #tpu.memory_space<semaphore_mem>> -> memref<1x!tpu.dma_semaphore, #tpu.memory_space<semaphore_mem>>
    %dma_start3A_634 = tpu.memref_squeeze %dma_start3A_633 : memref<1x!tpu.dma_semaphore, #tpu.memory_space<semaphore_mem>> -> memref<!tpu.dma_semaphore, #tpu.memory_space<semaphore_mem>>
    tpu.enqueue_indirect_dma source(%dma_start3A_632 : memref<1000000x32xf32, #tpu.memory_space<hbm>>) target(%dma_start3A_626 : memref<1024x32xf32, #tpu.memory_space<vmem>>) offsets(%dma_start3A_629 : memref<1024xi32, #tpu.memory_space<vmem>>) semaphore(%dma_start3A_634 : memref<!tpu.dma_semaphore, #tpu.memory_space<semaphore_mem>>)
    %dma_wait3A_635 = arith.constant 6 : i32
    %dma_wait3A_636 = arith.constant 0 : i32
    %dma_wait3A_637 = arith.constant 0 : i32
    %dma_wait3A_638 = arith.constant 0 : i32
    %dma_wait3A_639 = arith.constant 0 : i32
    %dma_wait3A_640 = tpu.memref_slice %arg6[%dma_wait3A_636, %dma_wait3A_638, %dma_wait3A_639] : memref<3x1024x32xf32, #tpu.memory_space<vmem>> -> memref<1x1024x32xf32, #tpu.memory_space<vmem>>
    %dma_wait3A_641 = tpu.memref_squeeze %dma_wait3A_640 : memref<1x1024x32xf32, #tpu.memory_space<vmem>> -> memref<1024x32xf32, #tpu.memory_space<vmem>>
    %dma_wait3A_642 = arith.constant 0 : i32
    %dma_wait3A_643 = tpu.memref_slice %arg5[%dma_wait3A_635, %dma_wait3A_642] : memref<10x1024xi32, #tpu.memory_space<vmem>> -> memref<1x1024xi32, #tpu.memory_space<vmem>>
    %dma_wait3A_644 = tpu.memref_squeeze %dma_wait3A_643 : memref<1x1024xi32, #tpu.memory_space<vmem>> -> memref<1024xi32, #tpu.memory_space<vmem>>
    %dma_wait3A_645 = arith.constant 0 : i32
    %dma_wait3A_646 = arith.constant 0 : i32
    %dma_wait3A_647 = tpu.memref_slice %arg2[%dma_wait3A_645, %dma_wait3A_646] : memref<1000000x32xf32, #tpu.memory_space<hbm>> -> memref<1000000x32xf32, #tpu.memory_space<hbm>>
    %dma_wait3A_648 = tpu.memref_slice %arg8[%dma_wait3A_637] : memref<3x!tpu.dma_semaphore, #tpu.memory_space<semaphore_mem>> -> memref<1x!tpu.dma_semaphore, #tpu.memory_space<semaphore_mem>>
    %dma_wait3A_649 = tpu.memref_squeeze %dma_wait3A_648 : memref<1x!tpu.dma_semaphore, #tpu.memory_space<semaphore_mem>> -> memref<!tpu.dma_semaphore, #tpu.memory_space<semaphore_mem>>
    tpu.wait_indirect_dma semaphore(%dma_wait3A_649 : memref<!tpu.dma_semaphore, #tpu.memory_space<semaphore_mem>>) src(%dma_wait3A_647 : memref<1000000x32xf32, #tpu.memory_space<hbm>>) dst(%dma_wait3A_641 : memref<1024x32xf32, #tpu.memory_space<vmem>>)
    %add3A_650 = arith.constant 6144 : i32
    %add3A_651 = arith.addi %mul3A_2, %add3A_650 : i32
    %dma_start3A_652 = arith.constant 0 : i32
    %dma_start3A_653 = arith.constant 0 : i32
    %dma_start3A_654 = arith.constant 0 : i32
    %dma_start3A_655 = arith.constant 0 : i32
    %dma_start3A_656 = tpu.memref_slice %arg6[%dma_start3A_652, %dma_start3A_654, %dma_start3A_655] : memref<3x1024x32xf32, #tpu.memory_space<vmem>> -> memref<1x1024x32xf32, #tpu.memory_space<vmem>>
    %dma_start3A_657 = tpu.memref_squeeze %dma_start3A_656 : memref<1x1024x32xf32, #tpu.memory_space<vmem>> -> memref<1024x32xf32, #tpu.memory_space<vmem>>
    %dma_start3A_658 = arith.constant 0 : i32
    %dma_start3A_659 = tpu.memref_slice %arg4[%add3A_651, %dma_start3A_658] : memref<327680x32xf32, #tpu.memory_space<hbm>> -> memref<1024x32xf32, #tpu.memory_space<hbm>>
    %dma_start3A_660 = tpu.memref_slice %arg9[%dma_start3A_653] : memref<3x!tpu.dma_semaphore, #tpu.memory_space<semaphore_mem>> -> memref<1x!tpu.dma_semaphore, #tpu.memory_space<semaphore_mem>>
    %dma_start3A_661 = tpu.memref_squeeze %dma_start3A_660 : memref<1x!tpu.dma_semaphore, #tpu.memory_space<semaphore_mem>> -> memref<!tpu.dma_semaphore, #tpu.memory_space<semaphore_mem>>
    %dma_start3A_662 = arith.constant 0 : i32
    %dma_start3A_663 = tpu.memref_slice %arg4[%add3A_651, %dma_start3A_662] : memref<327680x32xf32, #tpu.memory_space<hbm>> -> memref<1024x32xf32, #tpu.memory_space<hbm>>
    %dma_start3A_664 = arith.constant 0 : i32
    %dma_start3A_665 = arith.constant 0 : i32
    %dma_start3A_666 = tpu.memref_slice %arg6[%dma_start3A_652, %dma_start3A_664, %dma_start3A_665] : memref<3x1024x32xf32, #tpu.memory_space<vmem>> -> memref<1x1024x32xf32, #tpu.memory_space<vmem>>
    %dma_start3A_667 = tpu.memref_squeeze %dma_start3A_666 : memref<1x1024x32xf32, #tpu.memory_space<vmem>> -> memref<1024x32xf32, #tpu.memory_space<vmem>>
    tpu.enqueue_dma source(%dma_start3A_667 : memref<1024x32xf32, #tpu.memory_space<vmem>>) target(%dma_start3A_663 : memref<1024x32xf32, #tpu.memory_space<hbm>>) target_semaphore(%dma_start3A_661 : memref<!tpu.dma_semaphore, #tpu.memory_space<semaphore_mem>>)
    %dma_wait3A_668 = arith.constant 2 : i32
    %dma_wait3A_669 = arith.constant 2 : i32
    %dma_wait3A_670 = arith.constant 0 : i32
    %dma_wait3A_671 = arith.constant 0 : i32
    %dma_wait3A_672 = tpu.memref_slice %arg6[%dma_wait3A_668, %dma_wait3A_670, %dma_wait3A_671] : memref<3x1024x32xf32, #tpu.memory_space<vmem>> -> memref<1x1024x32xf32, #tpu.memory_space<vmem>>
    %dma_wait3A_673 = tpu.memref_squeeze %dma_wait3A_672 : memref<1x1024x32xf32, #tpu.memory_space<vmem>> -> memref<1024x32xf32, #tpu.memory_space<vmem>>
    %dma_wait3A_674 = arith.constant 0 : i32
    %dma_wait3A_675 = tpu.memref_slice %arg4[%add3A_575, %dma_wait3A_674] : memref<327680x32xf32, #tpu.memory_space<hbm>> -> memref<1024x32xf32, #tpu.memory_space<hbm>>
    %dma_wait3A_676 = tpu.memref_slice %arg9[%dma_wait3A_669] : memref<3x!tpu.dma_semaphore, #tpu.memory_space<semaphore_mem>> -> memref<1x!tpu.dma_semaphore, #tpu.memory_space<semaphore_mem>>
    %dma_wait3A_677 = tpu.memref_squeeze %dma_wait3A_676 : memref<1x!tpu.dma_semaphore, #tpu.memory_space<semaphore_mem>> -> memref<!tpu.dma_semaphore, #tpu.memory_space<semaphore_mem>>
    %dma_wait3A_678 = arith.constant 0 : i32
    %dma_wait3A_679 = tpu.memref_slice %arg4[%add3A_575, %dma_wait3A_678] : memref<327680x32xf32, #tpu.memory_space<hbm>> -> memref<1024x32xf32, #tpu.memory_space<hbm>>
    %dma_wait3A_680 = arith.constant 0 : i32
    %dma_wait3A_681 = arith.constant 0 : i32
    %dma_wait3A_682 = tpu.memref_slice %arg6[%dma_wait3A_668, %dma_wait3A_680, %dma_wait3A_681] : memref<3x1024x32xf32, #tpu.memory_space<vmem>> -> memref<1x1024x32xf32, #tpu.memory_space<vmem>>
    %dma_wait3A_683 = tpu.memref_squeeze %dma_wait3A_682 : memref<1x1024x32xf32, #tpu.memory_space<vmem>> -> memref<1024x32xf32, #tpu.memory_space<vmem>>
    tpu.wait_dma2 semaphore(%dma_wait3A_677 : memref<!tpu.dma_semaphore, #tpu.memory_space<semaphore_mem>>) src(%dma_wait3A_683 : memref<1024x32xf32, #tpu.memory_space<vmem>>) dst(%dma_wait3A_679 : memref<1024x32xf32, #tpu.memory_space<hbm>>)
    %dma_wait3A_684 = arith.constant 8 : i32
    %dma_wait3A_685 = arith.constant 8 : i32
    %dma_wait3A_686 = arith.constant 0 : i32
    %dma_wait3A_687 = tpu.memref_slice %arg5[%dma_wait3A_684, %dma_wait3A_686] : memref<10x1024xi32, #tpu.memory_space<vmem>> -> memref<1x1024xi32, #tpu.memory_space<vmem>>
    %dma_wait3A_688 = tpu.memref_squeeze %dma_wait3A_687 : memref<1x1024xi32, #tpu.memory_space<vmem>> -> memref<1024xi32, #tpu.memory_space<vmem>>
    %dma_wait3A_689 = tpu.memref_slice %arg3[%add3A_115] : memref<327680xi32, #tpu.memory_space<hbm>> -> memref<1024xi32, #tpu.memory_space<hbm>>
    %dma_wait3A_690 = tpu.memref_slice %arg7[%dma_wait3A_685] : memref<10x!tpu.dma_semaphore, #tpu.memory_space<semaphore_mem>> -> memref<1x!tpu.dma_semaphore, #tpu.memory_space<semaphore_mem>>
    %dma_wait3A_691 = tpu.memref_squeeze %dma_wait3A_690 : memref<1x!tpu.dma_semaphore, #tpu.memory_space<semaphore_mem>> -> memref<!tpu.dma_semaphore, #tpu.memory_space<semaphore_mem>>
    %dma_wait3A_692 = arith.constant 0 : i32
    %dma_wait3A_693 = tpu.memref_slice %arg5[%dma_wait3A_684, %dma_wait3A_692] : memref<10x1024xi32, #tpu.memory_space<vmem>> -> memref<1x1024xi32, #tpu.memory_space<vmem>>
    %dma_wait3A_694 = tpu.memref_squeeze %dma_wait3A_693 : memref<1x1024xi32, #tpu.memory_space<vmem>> -> memref<1024xi32, #tpu.memory_space<vmem>>
    %dma_wait3A_695 = tpu.memref_slice %arg3[%add3A_115] : memref<327680xi32, #tpu.memory_space<hbm>> -> memref<1024xi32, #tpu.memory_space<hbm>>
    tpu.wait_dma2 semaphore(%dma_wait3A_691 : memref<!tpu.dma_semaphore, #tpu.memory_space<semaphore_mem>>) src(%dma_wait3A_695 : memref<1024xi32, #tpu.memory_space<hbm>>) dst(%dma_wait3A_694 : memref<1024xi32, #tpu.memory_space<vmem>>)
    %dma_start3A_696 = arith.constant 8 : i32
    %dma_start3A_697 = arith.constant 2 : i32
    %dma_start3A_698 = arith.constant 2 : i32
    %dma_start3A_699 = arith.constant 0 : i32
    %dma_start3A_700 = arith.constant 0 : i32
    %dma_start3A_701 = tpu.memref_slice %arg6[%dma_start3A_697, %dma_start3A_699, %dma_start3A_700] : memref<3x1024x32xf32, #tpu.memory_space<vmem>> -> memref<1x1024x32xf32, #tpu.memory_space<vmem>>
    %dma_start3A_702 = tpu.memref_squeeze %dma_start3A_701 : memref<1x1024x32xf32, #tpu.memory_space<vmem>> -> memref<1024x32xf32, #tpu.memory_space<vmem>>
    %dma_start3A_703 = arith.constant 0 : i32
    %dma_start3A_704 = tpu.memref_slice %arg5[%dma_start3A_696, %dma_start3A_703] : memref<10x1024xi32, #tpu.memory_space<vmem>> -> memref<1x1024xi32, #tpu.memory_space<vmem>>
    %dma_start3A_705 = tpu.memref_squeeze %dma_start3A_704 : memref<1x1024xi32, #tpu.memory_space<vmem>> -> memref<1024xi32, #tpu.memory_space<vmem>>
    %dma_start3A_706 = arith.constant 0 : i32
    %dma_start3A_707 = arith.constant 0 : i32
    %dma_start3A_708 = tpu.memref_slice %arg2[%dma_start3A_706, %dma_start3A_707] : memref<1000000x32xf32, #tpu.memory_space<hbm>> -> memref<1000000x32xf32, #tpu.memory_space<hbm>>
    %dma_start3A_709 = tpu.memref_slice %arg8[%dma_start3A_698] : memref<3x!tpu.dma_semaphore, #tpu.memory_space<semaphore_mem>> -> memref<1x!tpu.dma_semaphore, #tpu.memory_space<semaphore_mem>>
    %dma_start3A_710 = tpu.memref_squeeze %dma_start3A_709 : memref<1x!tpu.dma_semaphore, #tpu.memory_space<semaphore_mem>> -> memref<!tpu.dma_semaphore, #tpu.memory_space<semaphore_mem>>
    tpu.enqueue_indirect_dma source(%dma_start3A_708 : memref<1000000x32xf32, #tpu.memory_space<hbm>>) target(%dma_start3A_702 : memref<1024x32xf32, #tpu.memory_space<vmem>>) offsets(%dma_start3A_705 : memref<1024xi32, #tpu.memory_space<vmem>>) semaphore(%dma_start3A_710 : memref<!tpu.dma_semaphore, #tpu.memory_space<semaphore_mem>>)
    %dma_wait3A_711 = arith.constant 7 : i32
    %dma_wait3A_712 = arith.constant 1 : i32
    %dma_wait3A_713 = arith.constant 1 : i32
    %dma_wait3A_714 = arith.constant 0 : i32
    %dma_wait3A_715 = arith.constant 0 : i32
    %dma_wait3A_716 = tpu.memref_slice %arg6[%dma_wait3A_712, %dma_wait3A_714, %dma_wait3A_715] : memref<3x1024x32xf32, #tpu.memory_space<vmem>> -> memref<1x1024x32xf32, #tpu.memory_space<vmem>>
    %dma_wait3A_717 = tpu.memref_squeeze %dma_wait3A_716 : memref<1x1024x32xf32, #tpu.memory_space<vmem>> -> memref<1024x32xf32, #tpu.memory_space<vmem>>
    %dma_wait3A_718 = arith.constant 0 : i32
    %dma_wait3A_719 = tpu.memref_slice %arg5[%dma_wait3A_711, %dma_wait3A_718] : memref<10x1024xi32, #tpu.memory_space<vmem>> -> memref<1x1024xi32, #tpu.memory_space<vmem>>
    %dma_wait3A_720 = tpu.memref_squeeze %dma_wait3A_719 : memref<1x1024xi32, #tpu.memory_space<vmem>> -> memref<1024xi32, #tpu.memory_space<vmem>>
    %dma_wait3A_721 = arith.constant 0 : i32
    %dma_wait3A_722 = arith.constant 0 : i32
    %dma_wait3A_723 = tpu.memref_slice %arg2[%dma_wait3A_721, %dma_wait3A_722] : memref<1000000x32xf32, #tpu.memory_space<hbm>> -> memref<1000000x32xf32, #tpu.memory_space<hbm>>
    %dma_wait3A_724 = tpu.memref_slice %arg8[%dma_wait3A_713] : memref<3x!tpu.dma_semaphore, #tpu.memory_space<semaphore_mem>> -> memref<1x!tpu.dma_semaphore, #tpu.memory_space<semaphore_mem>>
    %dma_wait3A_725 = tpu.memref_squeeze %dma_wait3A_724 : memref<1x!tpu.dma_semaphore, #tpu.memory_space<semaphore_mem>> -> memref<!tpu.dma_semaphore, #tpu.memory_space<semaphore_mem>>
    tpu.wait_indirect_dma semaphore(%dma_wait3A_725 : memref<!tpu.dma_semaphore, #tpu.memory_space<semaphore_mem>>) src(%dma_wait3A_723 : memref<1000000x32xf32, #tpu.memory_space<hbm>>) dst(%dma_wait3A_717 : memref<1024x32xf32, #tpu.memory_space<vmem>>)
    %add3A_726 = arith.constant 7168 : i32
    %add3A_727 = arith.addi %mul3A_2, %add3A_726 : i32
    %dma_start3A_728 = arith.constant 1 : i32
    %dma_start3A_729 = arith.constant 1 : i32
    %dma_start3A_730 = arith.constant 0 : i32
    %dma_start3A_731 = arith.constant 0 : i32
    %dma_start3A_732 = tpu.memref_slice %arg6[%dma_start3A_728, %dma_start3A_730, %dma_start3A_731] : memref<3x1024x32xf32, #tpu.memory_space<vmem>> -> memref<1x1024x32xf32, #tpu.memory_space<vmem>>
    %dma_start3A_733 = tpu.memref_squeeze %dma_start3A_732 : memref<1x1024x32xf32, #tpu.memory_space<vmem>> -> memref<1024x32xf32, #tpu.memory_space<vmem>>
    %dma_start3A_734 = arith.constant 0 : i32
    %dma_start3A_735 = tpu.memref_slice %arg4[%add3A_727, %dma_start3A_734] : memref<327680x32xf32, #tpu.memory_space<hbm>> -> memref<1024x32xf32, #tpu.memory_space<hbm>>
    %dma_start3A_736 = tpu.memref_slice %arg9[%dma_start3A_729] : memref<3x!tpu.dma_semaphore, #tpu.memory_space<semaphore_mem>> -> memref<1x!tpu.dma_semaphore, #tpu.memory_space<semaphore_mem>>
    %dma_start3A_737 = tpu.memref_squeeze %dma_start3A_736 : memref<1x!tpu.dma_semaphore, #tpu.memory_space<semaphore_mem>> -> memref<!tpu.dma_semaphore, #tpu.memory_space<semaphore_mem>>
    %dma_start3A_738 = arith.constant 0 : i32
    %dma_start3A_739 = tpu.memref_slice %arg4[%add3A_727, %dma_start3A_738] : memref<327680x32xf32, #tpu.memory_space<hbm>> -> memref<1024x32xf32, #tpu.memory_space<hbm>>
    %dma_start3A_740 = arith.constant 0 : i32
    %dma_start3A_741 = arith.constant 0 : i32
    %dma_start3A_742 = tpu.memref_slice %arg6[%dma_start3A_728, %dma_start3A_740, %dma_start3A_741] : memref<3x1024x32xf32, #tpu.memory_space<vmem>> -> memref<1x1024x32xf32, #tpu.memory_space<vmem>>
    %dma_start3A_743 = tpu.memref_squeeze %dma_start3A_742 : memref<1x1024x32xf32, #tpu.memory_space<vmem>> -> memref<1024x32xf32, #tpu.memory_space<vmem>>
    tpu.enqueue_dma source(%dma_start3A_743 : memref<1024x32xf32, #tpu.memory_space<vmem>>) target(%dma_start3A_739 : memref<1024x32xf32, #tpu.memory_space<hbm>>) target_semaphore(%dma_start3A_737 : memref<!tpu.dma_semaphore, #tpu.memory_space<semaphore_mem>>)
    %dma_wait3A_744 = arith.constant 0 : i32
    %dma_wait3A_745 = arith.constant 0 : i32
    %dma_wait3A_746 = arith.constant 0 : i32
    %dma_wait3A_747 = arith.constant 0 : i32
    %dma_wait3A_748 = tpu.memref_slice %arg6[%dma_wait3A_744, %dma_wait3A_746, %dma_wait3A_747] : memref<3x1024x32xf32, #tpu.memory_space<vmem>> -> memref<1x1024x32xf32, #tpu.memory_space<vmem>>
    %dma_wait3A_749 = tpu.memref_squeeze %dma_wait3A_748 : memref<1x1024x32xf32, #tpu.memory_space<vmem>> -> memref<1024x32xf32, #tpu.memory_space<vmem>>
    %dma_wait3A_750 = arith.constant 0 : i32
    %dma_wait3A_751 = tpu.memref_slice %arg4[%add3A_651, %dma_wait3A_750] : memref<327680x32xf32, #tpu.memory_space<hbm>> -> memref<1024x32xf32, #tpu.memory_space<hbm>>
    %dma_wait3A_752 = tpu.memref_slice %arg9[%dma_wait3A_745] : memref<3x!tpu.dma_semaphore, #tpu.memory_space<semaphore_mem>> -> memref<1x!tpu.dma_semaphore, #tpu.memory_space<semaphore_mem>>
    %dma_wait3A_753 = tpu.memref_squeeze %dma_wait3A_752 : memref<1x!tpu.dma_semaphore, #tpu.memory_space<semaphore_mem>> -> memref<!tpu.dma_semaphore, #tpu.memory_space<semaphore_mem>>
    %dma_wait3A_754 = arith.constant 0 : i32
    %dma_wait3A_755 = tpu.memref_slice %arg4[%add3A_651, %dma_wait3A_754] : memref<327680x32xf32, #tpu.memory_space<hbm>> -> memref<1024x32xf32, #tpu.memory_space<hbm>>
    %dma_wait3A_756 = arith.constant 0 : i32
    %dma_wait3A_757 = arith.constant 0 : i32
    %dma_wait3A_758 = tpu.memref_slice %arg6[%dma_wait3A_744, %dma_wait3A_756, %dma_wait3A_757] : memref<3x1024x32xf32, #tpu.memory_space<vmem>> -> memref<1x1024x32xf32, #tpu.memory_space<vmem>>
    %dma_wait3A_759 = tpu.memref_squeeze %dma_wait3A_758 : memref<1x1024x32xf32, #tpu.memory_space<vmem>> -> memref<1024x32xf32, #tpu.memory_space<vmem>>
    tpu.wait_dma2 semaphore(%dma_wait3A_753 : memref<!tpu.dma_semaphore, #tpu.memory_space<semaphore_mem>>) src(%dma_wait3A_759 : memref<1024x32xf32, #tpu.memory_space<vmem>>) dst(%dma_wait3A_755 : memref<1024x32xf32, #tpu.memory_space<hbm>>)
    %dma_wait3A_760 = arith.constant 9 : i32
    %dma_wait3A_761 = arith.constant 9 : i32
    %dma_wait3A_762 = arith.constant 0 : i32
    %dma_wait3A_763 = tpu.memref_slice %arg5[%dma_wait3A_760, %dma_wait3A_762] : memref<10x1024xi32, #tpu.memory_space<vmem>> -> memref<1x1024xi32, #tpu.memory_space<vmem>>
    %dma_wait3A_764 = tpu.memref_squeeze %dma_wait3A_763 : memref<1x1024xi32, #tpu.memory_space<vmem>> -> memref<1024xi32, #tpu.memory_space<vmem>>
    %dma_wait3A_765 = tpu.memref_slice %arg3[%add3A_129] : memref<327680xi32, #tpu.memory_space<hbm>> -> memref<1024xi32, #tpu.memory_space<hbm>>
    %dma_wait3A_766 = tpu.memref_slice %arg7[%dma_wait3A_761] : memref<10x!tpu.dma_semaphore, #tpu.memory_space<semaphore_mem>> -> memref<1x!tpu.dma_semaphore, #tpu.memory_space<semaphore_mem>>
    %dma_wait3A_767 = tpu.memref_squeeze %dma_wait3A_766 : memref<1x!tpu.dma_semaphore, #tpu.memory_space<semaphore_mem>> -> memref<!tpu.dma_semaphore, #tpu.memory_space<semaphore_mem>>
    %dma_wait3A_768 = arith.constant 0 : i32
    %dma_wait3A_769 = tpu.memref_slice %arg5[%dma_wait3A_760, %dma_wait3A_768] : memref<10x1024xi32, #tpu.memory_space<vmem>> -> memref<1x1024xi32, #tpu.memory_space<vmem>>
    %dma_wait3A_770 = tpu.memref_squeeze %dma_wait3A_769 : memref<1x1024xi32, #tpu.memory_space<vmem>> -> memref<1024xi32, #tpu.memory_space<vmem>>
    %dma_wait3A_771 = tpu.memref_slice %arg3[%add3A_129] : memref<327680xi32, #tpu.memory_space<hbm>> -> memref<1024xi32, #tpu.memory_space<hbm>>
    tpu.wait_dma2 semaphore(%dma_wait3A_767 : memref<!tpu.dma_semaphore, #tpu.memory_space<semaphore_mem>>) src(%dma_wait3A_771 : memref<1024xi32, #tpu.memory_space<hbm>>) dst(%dma_wait3A_770 : memref<1024xi32, #tpu.memory_space<vmem>>)
    %dma_start3A_772 = arith.constant 9 : i32
    %dma_start3A_773 = arith.constant 0 : i32
    %dma_start3A_774 = arith.constant 0 : i32
    %dma_start3A_775 = arith.constant 0 : i32
    %dma_start3A_776 = arith.constant 0 : i32
    %dma_start3A_777 = tpu.memref_slice %arg6[%dma_start3A_773, %dma_start3A_775, %dma_start3A_776] : memref<3x1024x32xf32, #tpu.memory_space<vmem>> -> memref<1x1024x32xf32, #tpu.memory_space<vmem>>
    %dma_start3A_778 = tpu.memref_squeeze %dma_start3A_777 : memref<1x1024x32xf32, #tpu.memory_space<vmem>> -> memref<1024x32xf32, #tpu.memory_space<vmem>>
    %dma_start3A_779 = arith.constant 0 : i32
    %dma_start3A_780 = tpu.memref_slice %arg5[%dma_start3A_772, %dma_start3A_779] : memref<10x1024xi32, #tpu.memory_space<vmem>> -> memref<1x1024xi32, #tpu.memory_space<vmem>>
    %dma_start3A_781 = tpu.memref_squeeze %dma_start3A_780 : memref<1x1024xi32, #tpu.memory_space<vmem>> -> memref<1024xi32, #tpu.memory_space<vmem>>
    %dma_start3A_782 = arith.constant 0 : i32
    %dma_start3A_783 = arith.constant 0 : i32
    %dma_start3A_784 = tpu.memref_slice %arg2[%dma_start3A_782, %dma_start3A_783] : memref<1000000x32xf32, #tpu.memory_space<hbm>> -> memref<1000000x32xf32, #tpu.memory_space<hbm>>
    %dma_start3A_785 = tpu.memref_slice %arg8[%dma_start3A_774] : memref<3x!tpu.dma_semaphore, #tpu.memory_space<semaphore_mem>> -> memref<1x!tpu.dma_semaphore, #tpu.memory_space<semaphore_mem>>
    %dma_start3A_786 = tpu.memref_squeeze %dma_start3A_785 : memref<1x!tpu.dma_semaphore, #tpu.memory_space<semaphore_mem>> -> memref<!tpu.dma_semaphore, #tpu.memory_space<semaphore_mem>>
    tpu.enqueue_indirect_dma source(%dma_start3A_784 : memref<1000000x32xf32, #tpu.memory_space<hbm>>) target(%dma_start3A_778 : memref<1024x32xf32, #tpu.memory_space<vmem>>) offsets(%dma_start3A_781 : memref<1024xi32, #tpu.memory_space<vmem>>) semaphore(%dma_start3A_786 : memref<!tpu.dma_semaphore, #tpu.memory_space<semaphore_mem>>)
    %dma_wait3A_787 = arith.constant 8 : i32
    %dma_wait3A_788 = arith.constant 2 : i32
    %dma_wait3A_789 = arith.constant 2 : i32
    %dma_wait3A_790 = arith.constant 0 : i32
    %dma_wait3A_791 = arith.constant 0 : i32
    %dma_wait3A_792 = tpu.memref_slice %arg6[%dma_wait3A_788, %dma_wait3A_790, %dma_wait3A_791] : memref<3x1024x32xf32, #tpu.memory_space<vmem>> -> memref<1x1024x32xf32, #tpu.memory_space<vmem>>
    %dma_wait3A_793 = tpu.memref_squeeze %dma_wait3A_792 : memref<1x1024x32xf32, #tpu.memory_space<vmem>> -> memref<1024x32xf32, #tpu.memory_space<vmem>>
    %dma_wait3A_794 = arith.constant 0 : i32
    %dma_wait3A_795 = tpu.memref_slice %arg5[%dma_wait3A_787, %dma_wait3A_794] : memref<10x1024xi32, #tpu.memory_space<vmem>> -> memref<1x1024xi32, #tpu.memory_space<vmem>>
    %dma_wait3A_796 = tpu.memref_squeeze %dma_wait3A_795 : memref<1x1024xi32, #tpu.memory_space<vmem>> -> memref<1024xi32, #tpu.memory_space<vmem>>
    %dma_wait3A_797 = arith.constant 0 : i32
    %dma_wait3A_798 = arith.constant 0 : i32
    %dma_wait3A_799 = tpu.memref_slice %arg2[%dma_wait3A_797, %dma_wait3A_798] : memref<1000000x32xf32, #tpu.memory_space<hbm>> -> memref<1000000x32xf32, #tpu.memory_space<hbm>>
    %dma_wait3A_800 = tpu.memref_slice %arg8[%dma_wait3A_789] : memref<3x!tpu.dma_semaphore, #tpu.memory_space<semaphore_mem>> -> memref<1x!tpu.dma_semaphore, #tpu.memory_space<semaphore_mem>>
    %dma_wait3A_801 = tpu.memref_squeeze %dma_wait3A_800 : memref<1x!tpu.dma_semaphore, #tpu.memory_space<semaphore_mem>> -> memref<!tpu.dma_semaphore, #tpu.memory_space<semaphore_mem>>
    tpu.wait_indirect_dma semaphore(%dma_wait3A_801 : memref<!tpu.dma_semaphore, #tpu.memory_space<semaphore_mem>>) src(%dma_wait3A_799 : memref<1000000x32xf32, #tpu.memory_space<hbm>>) dst(%dma_wait3A_793 : memref<1024x32xf32, #tpu.memory_space<vmem>>)
    %add3A_802 = arith.constant 8192 : i32
    %add3A_803 = arith.addi %mul3A_2, %add3A_802 : i32
    %dma_start3A_804 = arith.constant 2 : i32
    %dma_start3A_805 = arith.constant 2 : i32
    %dma_start3A_806 = arith.constant 0 : i32
    %dma_start3A_807 = arith.constant 0 : i32
    %dma_start3A_808 = tpu.memref_slice %arg6[%dma_start3A_804, %dma_start3A_806, %dma_start3A_807] : memref<3x1024x32xf32, #tpu.memory_space<vmem>> -> memref<1x1024x32xf32, #tpu.memory_space<vmem>>
    %dma_start3A_809 = tpu.memref_squeeze %dma_start3A_808 : memref<1x1024x32xf32, #tpu.memory_space<vmem>> -> memref<1024x32xf32, #tpu.memory_space<vmem>>
    %dma_start3A_810 = arith.constant 0 : i32
    %dma_start3A_811 = tpu.memref_slice %arg4[%add3A_803, %dma_start3A_810] : memref<327680x32xf32, #tpu.memory_space<hbm>> -> memref<1024x32xf32, #tpu.memory_space<hbm>>
    %dma_start3A_812 = tpu.memref_slice %arg9[%dma_start3A_805] : memref<3x!tpu.dma_semaphore, #tpu.memory_space<semaphore_mem>> -> memref<1x!tpu.dma_semaphore, #tpu.memory_space<semaphore_mem>>
    %dma_start3A_813 = tpu.memref_squeeze %dma_start3A_812 : memref<1x!tpu.dma_semaphore, #tpu.memory_space<semaphore_mem>> -> memref<!tpu.dma_semaphore, #tpu.memory_space<semaphore_mem>>
    %dma_start3A_814 = arith.constant 0 : i32
    %dma_start3A_815 = tpu.memref_slice %arg4[%add3A_803, %dma_start3A_814] : memref<327680x32xf32, #tpu.memory_space<hbm>> -> memref<1024x32xf32, #tpu.memory_space<hbm>>
    %dma_start3A_816 = arith.constant 0 : i32
    %dma_start3A_817 = arith.constant 0 : i32
    %dma_start3A_818 = tpu.memref_slice %arg6[%dma_start3A_804, %dma_start3A_816, %dma_start3A_817] : memref<3x1024x32xf32, #tpu.memory_space<vmem>> -> memref<1x1024x32xf32, #tpu.memory_space<vmem>>
    %dma_start3A_819 = tpu.memref_squeeze %dma_start3A_818 : memref<1x1024x32xf32, #tpu.memory_space<vmem>> -> memref<1024x32xf32, #tpu.memory_space<vmem>>
    tpu.enqueue_dma source(%dma_start3A_819 : memref<1024x32xf32, #tpu.memory_space<vmem>>) target(%dma_start3A_815 : memref<1024x32xf32, #tpu.memory_space<hbm>>) target_semaphore(%dma_start3A_813 : memref<!tpu.dma_semaphore, #tpu.memory_space<semaphore_mem>>)
    %dma_wait3A_820 = arith.constant 9 : i32
    %dma_wait3A_821 = arith.constant 0 : i32
    %dma_wait3A_822 = arith.constant 0 : i32
    %dma_wait3A_823 = arith.constant 0 : i32
    %dma_wait3A_824 = arith.constant 0 : i32
    %dma_wait3A_825 = tpu.memref_slice %arg6[%dma_wait3A_821, %dma_wait3A_823, %dma_wait3A_824] : memref<3x1024x32xf32, #tpu.memory_space<vmem>> -> memref<1x1024x32xf32, #tpu.memory_space<vmem>>
    %dma_wait3A_826 = tpu.memref_squeeze %dma_wait3A_825 : memref<1x1024x32xf32, #tpu.memory_space<vmem>> -> memref<1024x32xf32, #tpu.memory_space<vmem>>
    %dma_wait3A_827 = arith.constant 0 : i32
    %dma_wait3A_828 = tpu.memref_slice %arg5[%dma_wait3A_820, %dma_wait3A_827] : memref<10x1024xi32, #tpu.memory_space<vmem>> -> memref<1x1024xi32, #tpu.memory_space<vmem>>
    %dma_wait3A_829 = tpu.memref_squeeze %dma_wait3A_828 : memref<1x1024xi32, #tpu.memory_space<vmem>> -> memref<1024xi32, #tpu.memory_space<vmem>>
    %dma_wait3A_830 = arith.constant 0 : i32
    %dma_wait3A_831 = arith.constant 0 : i32
    %dma_wait3A_832 = tpu.memref_slice %arg2[%dma_wait3A_830, %dma_wait3A_831] : memref<1000000x32xf32, #tpu.memory_space<hbm>> -> memref<1000000x32xf32, #tpu.memory_space<hbm>>
    %dma_wait3A_833 = tpu.memref_slice %arg8[%dma_wait3A_822] : memref<3x!tpu.dma_semaphore, #tpu.memory_space<semaphore_mem>> -> memref<1x!tpu.dma_semaphore, #tpu.memory_space<semaphore_mem>>
    %dma_wait3A_834 = tpu.memref_squeeze %dma_wait3A_833 : memref<1x!tpu.dma_semaphore, #tpu.memory_space<semaphore_mem>> -> memref<!tpu.dma_semaphore, #tpu.memory_space<semaphore_mem>>
    tpu.wait_indirect_dma semaphore(%dma_wait3A_834 : memref<!tpu.dma_semaphore, #tpu.memory_space<semaphore_mem>>) src(%dma_wait3A_832 : memref<1000000x32xf32, #tpu.memory_space<hbm>>) dst(%dma_wait3A_826 : memref<1024x32xf32, #tpu.memory_space<vmem>>)
    %add3A_835 = arith.constant 9216 : i32
    %add3A_836 = arith.addi %mul3A_2, %add3A_835 : i32
    %dma_start3A_837 = arith.constant 0 : i32
    %dma_start3A_838 = arith.constant 0 : i32
    %dma_start3A_839 = arith.constant 0 : i32
    %dma_start3A_840 = arith.constant 0 : i32
    %dma_start3A_841 = tpu.memref_slice %arg6[%dma_start3A_837, %dma_start3A_839, %dma_start3A_840] : memref<3x1024x32xf32, #tpu.memory_space<vmem>> -> memref<1x1024x32xf32, #tpu.memory_space<vmem>>
    %dma_start3A_842 = tpu.memref_squeeze %dma_start3A_841 : memref<1x1024x32xf32, #tpu.memory_space<vmem>> -> memref<1024x32xf32, #tpu.memory_space<vmem>>
    %dma_start3A_843 = arith.constant 0 : i32
    %dma_start3A_844 = tpu.memref_slice %arg4[%add3A_836, %dma_start3A_843] : memref<327680x32xf32, #tpu.memory_space<hbm>> -> memref<1024x32xf32, #tpu.memory_space<hbm>>
    %dma_start3A_845 = tpu.memref_slice %arg9[%dma_start3A_838] : memref<3x!tpu.dma_semaphore, #tpu.memory_space<semaphore_mem>> -> memref<1x!tpu.dma_semaphore, #tpu.memory_space<semaphore_mem>>
    %dma_start3A_846 = tpu.memref_squeeze %dma_start3A_845 : memref<1x!tpu.dma_semaphore, #tpu.memory_space<semaphore_mem>> -> memref<!tpu.dma_semaphore, #tpu.memory_space<semaphore_mem>>
    %dma_start3A_847 = arith.constant 0 : i32
    %dma_start3A_848 = tpu.memref_slice %arg4[%add3A_836, %dma_start3A_847] : memref<327680x32xf32, #tpu.memory_space<hbm>> -> memref<1024x32xf32, #tpu.memory_space<hbm>>
    %dma_start3A_849 = arith.constant 0 : i32
    %dma_start3A_850 = arith.constant 0 : i32
    %dma_start3A_851 = tpu.memref_slice %arg6[%dma_start3A_837, %dma_start3A_849, %dma_start3A_850] : memref<3x1024x32xf32, #tpu.memory_space<vmem>> -> memref<1x1024x32xf32, #tpu.memory_space<vmem>>
    %dma_start3A_852 = tpu.memref_squeeze %dma_start3A_851 : memref<1x1024x32xf32, #tpu.memory_space<vmem>> -> memref<1024x32xf32, #tpu.memory_space<vmem>>
    tpu.enqueue_dma source(%dma_start3A_852 : memref<1024x32xf32, #tpu.memory_space<vmem>>) target(%dma_start3A_848 : memref<1024x32xf32, #tpu.memory_space<hbm>>) target_semaphore(%dma_start3A_846 : memref<!tpu.dma_semaphore, #tpu.memory_space<semaphore_mem>>)
    %dma_wait3A_853 = arith.constant 0 : i32
    %dma_wait3A_854 = arith.constant 0 : i32
    %dma_wait3A_855 = arith.constant 0 : i32
    %dma_wait3A_856 = arith.constant 0 : i32
    %dma_wait3A_857 = tpu.memref_slice %arg6[%dma_wait3A_853, %dma_wait3A_855, %dma_wait3A_856] : memref<3x1024x32xf32, #tpu.memory_space<vmem>> -> memref<1x1024x32xf32, #tpu.memory_space<vmem>>
    %dma_wait3A_858 = tpu.memref_squeeze %dma_wait3A_857 : memref<1x1024x32xf32, #tpu.memory_space<vmem>> -> memref<1024x32xf32, #tpu.memory_space<vmem>>
    %dma_wait3A_859 = arith.constant 0 : i32
    %dma_wait3A_860 = tpu.memref_slice %arg4[%add3A_836, %dma_wait3A_859] : memref<327680x32xf32, #tpu.memory_space<hbm>> -> memref<1024x32xf32, #tpu.memory_space<hbm>>
    %dma_wait3A_861 = tpu.memref_slice %arg9[%dma_wait3A_854] : memref<3x!tpu.dma_semaphore, #tpu.memory_space<semaphore_mem>> -> memref<1x!tpu.dma_semaphore, #tpu.memory_space<semaphore_mem>>
    %dma_wait3A_862 = tpu.memref_squeeze %dma_wait3A_861 : memref<1x!tpu.dma_semaphore, #tpu.memory_space<semaphore_mem>> -> memref<!tpu.dma_semaphore, #tpu.memory_space<semaphore_mem>>
    %dma_wait3A_863 = arith.constant 0 : i32
    %dma_wait3A_864 = tpu.memref_slice %arg4[%add3A_836, %dma_wait3A_863] : memref<327680x32xf32, #tpu.memory_space<hbm>> -> memref<1024x32xf32, #tpu.memory_space<hbm>>
    %dma_wait3A_865 = arith.constant 0 : i32
    %dma_wait3A_866 = arith.constant 0 : i32
    %dma_wait3A_867 = tpu.memref_slice %arg6[%dma_wait3A_853, %dma_wait3A_865, %dma_wait3A_866] : memref<3x1024x32xf32, #tpu.memory_space<vmem>> -> memref<1x1024x32xf32, #tpu.memory_space<vmem>>
    %dma_wait3A_868 = tpu.memref_squeeze %dma_wait3A_867 : memref<1x1024x32xf32, #tpu.memory_space<vmem>> -> memref<1024x32xf32, #tpu.memory_space<vmem>>
    tpu.wait_dma2 semaphore(%dma_wait3A_862 : memref<!tpu.dma_semaphore, #tpu.memory_space<semaphore_mem>>) src(%dma_wait3A_868 : memref<1024x32xf32, #tpu.memory_space<vmem>>) dst(%dma_wait3A_864 : memref<1024x32xf32, #tpu.memory_space<hbm>>)
    %dma_wait3A_869 = arith.constant 1 : i32
    %dma_wait3A_870 = arith.constant 1 : i32
    %dma_wait3A_871 = arith.constant 0 : i32
    %dma_wait3A_872 = arith.constant 0 : i32
    %dma_wait3A_873 = tpu.memref_slice %arg6[%dma_wait3A_869, %dma_wait3A_871, %dma_wait3A_872] : memref<3x1024x32xf32, #tpu.memory_space<vmem>> -> memref<1x1024x32xf32, #tpu.memory_space<vmem>>
    %dma_wait3A_874 = tpu.memref_squeeze %dma_wait3A_873 : memref<1x1024x32xf32, #tpu.memory_space<vmem>> -> memref<1024x32xf32, #tpu.memory_space<vmem>>
    %dma_wait3A_875 = arith.constant 0 : i32
    %dma_wait3A_876 = tpu.memref_slice %arg4[%add3A_727, %dma_wait3A_875] : memref<327680x32xf32, #tpu.memory_space<hbm>> -> memref<1024x32xf32, #tpu.memory_space<hbm>>
    %dma_wait3A_877 = tpu.memref_slice %arg9[%dma_wait3A_870] : memref<3x!tpu.dma_semaphore, #tpu.memory_space<semaphore_mem>> -> memref<1x!tpu.dma_semaphore, #tpu.memory_space<semaphore_mem>>
    %dma_wait3A_878 = tpu.memref_squeeze %dma_wait3A_877 : memref<1x!tpu.dma_semaphore, #tpu.memory_space<semaphore_mem>> -> memref<!tpu.dma_semaphore, #tpu.memory_space<semaphore_mem>>
    %dma_wait3A_879 = arith.constant 0 : i32
    %dma_wait3A_880 = tpu.memref_slice %arg4[%add3A_727, %dma_wait3A_879] : memref<327680x32xf32, #tpu.memory_space<hbm>> -> memref<1024x32xf32, #tpu.memory_space<hbm>>
    %dma_wait3A_881 = arith.constant 0 : i32
    %dma_wait3A_882 = arith.constant 0 : i32
    %dma_wait3A_883 = tpu.memref_slice %arg6[%dma_wait3A_869, %dma_wait3A_881, %dma_wait3A_882] : memref<3x1024x32xf32, #tpu.memory_space<vmem>> -> memref<1x1024x32xf32, #tpu.memory_space<vmem>>
    %dma_wait3A_884 = tpu.memref_squeeze %dma_wait3A_883 : memref<1x1024x32xf32, #tpu.memory_space<vmem>> -> memref<1024x32xf32, #tpu.memory_space<vmem>>
    tpu.wait_dma2 semaphore(%dma_wait3A_878 : memref<!tpu.dma_semaphore, #tpu.memory_space<semaphore_mem>>) src(%dma_wait3A_884 : memref<1024x32xf32, #tpu.memory_space<vmem>>) dst(%dma_wait3A_880 : memref<1024x32xf32, #tpu.memory_space<hbm>>)
    %dma_wait3A_885 = arith.constant 2 : i32
    %dma_wait3A_886 = arith.constant 2 : i32
    %dma_wait3A_887 = arith.constant 0 : i32
    %dma_wait3A_888 = arith.constant 0 : i32
    %dma_wait3A_889 = tpu.memref_slice %arg6[%dma_wait3A_885, %dma_wait3A_887, %dma_wait3A_888] : memref<3x1024x32xf32, #tpu.memory_space<vmem>> -> memref<1x1024x32xf32, #tpu.memory_space<vmem>>
    %dma_wait3A_890 = tpu.memref_squeeze %dma_wait3A_889 : memref<1x1024x32xf32, #tpu.memory_space<vmem>> -> memref<1024x32xf32, #tpu.memory_space<vmem>>
    %dma_wait3A_891 = arith.constant 0 : i32
    %dma_wait3A_892 = tpu.memref_slice %arg4[%add3A_803, %dma_wait3A_891] : memref<327680x32xf32, #tpu.memory_space<hbm>> -> memref<1024x32xf32, #tpu.memory_space<hbm>>
    %dma_wait3A_893 = tpu.memref_slice %arg9[%dma_wait3A_886] : memref<3x!tpu.dma_semaphore, #tpu.memory_space<semaphore_mem>> -> memref<1x!tpu.dma_semaphore, #tpu.memory_space<semaphore_mem>>
    %dma_wait3A_894 = tpu.memref_squeeze %dma_wait3A_893 : memref<1x!tpu.dma_semaphore, #tpu.memory_space<semaphore_mem>> -> memref<!tpu.dma_semaphore, #tpu.memory_space<semaphore_mem>>
    %dma_wait3A_895 = arith.constant 0 : i32
    %dma_wait3A_896 = tpu.memref_slice %arg4[%add3A_803, %dma_wait3A_895] : memref<327680x32xf32, #tpu.memory_space<hbm>> -> memref<1024x32xf32, #tpu.memory_space<hbm>>
    %dma_wait3A_897 = arith.constant 0 : i32
    %dma_wait3A_898 = arith.constant 0 : i32
    %dma_wait3A_899 = tpu.memref_slice %arg6[%dma_wait3A_885, %dma_wait3A_897, %dma_wait3A_898] : memref<3x1024x32xf32, #tpu.memory_space<vmem>> -> memref<1x1024x32xf32, #tpu.memory_space<vmem>>
    %dma_wait3A_900 = tpu.memref_squeeze %dma_wait3A_899 : memref<1x1024x32xf32, #tpu.memory_space<vmem>> -> memref<1024x32xf32, #tpu.memory_space<vmem>>
    tpu.wait_dma2 semaphore(%dma_wait3A_894 : memref<!tpu.dma_semaphore, #tpu.memory_space<semaphore_mem>>) src(%dma_wait3A_900 : memref<1024x32xf32, #tpu.memory_space<vmem>>) dst(%dma_wait3A_896 : memref<1024x32xf32, #tpu.memory_space<hbm>>)
    return
  }
}

</mosaic_0001>

<sc_bundles>
// kernel: kernel.3.cloned.1.call-start
scs
__scs_entry_jumppad:
0x0: {  	(pc) =	sbr.rel $0x88, $3  }
0x1: {  	(tag) =	ssettag $0x0;
	lr =	simm.s32 $0x1  }
0x2: {  	[smem:$0x3F9F] =	sst lr;
	_ =	strace $0xD0000000  }
0x3: {  	_ = 	snop  }
0x4: {  	_ = 	snop  }
0x5: {  	_ = 	snop  }
0x6: {  	_ = 	snop  }
0x7: {  	_ = 	snop  }
__scs_overlays_trampoline_lowered:
0x8: {  	[smem:$0x3FAE] =	sst s0  }
0x9: {  	[smem:$0x3FAF] =	sst s1  }
0xa: {  	[smem:$0x3FB0] =	sst s2  }
0xb: {  	[smem:$0x3FB1] =	sst s3  }
0xc: {  	[smem:$0x3FB2] =	sst s4  }
0xd: {  	[smem:$0x3FB3] =	sst s5  }
0xe: {  	[smem:$0x3FB4] =	sst s6  }
0xf: {  	[smem:$0x3FB5] =	sst s7  }
0x10: {  	[smem:$0x3FB6] =	sst s8  }
0x11: {  	[smem:$0x3FB7] =	sst s9;
	s0 =	simm.s32 @!p0 $0x0  }
0x12: {  	s1 =	sld [smem:$0x3F9D];
	s0 =	simm.s32 @p0 $0x1  }
0x13: {  	[smem:$0x3FB8] =	sst s0;
	s0 =	simm.s32 @!p1 $0x0  }
0x14: {  	s2 =	sld [smem:$0x3F9C];
	s0 =	simm.s32 @p1 $0x1  }
0x15: {  	[smem:$0x3FB9] =	sst s0;
	s0 =	simm.s32 @!p2 $0x0  }
0x16: {  	s3 =	sld [smem:$0x3FDB];
	s0 =	simm.s32 @p2 $0x1  }
0x17: {  	s4 =	simm.s32 $0x1BF5;
	[smem:$0x3FBB] =	sst s0  }
0x18: {  	s0 =	sld [smem:$0x3F9E];
	_ =	swait.ge [sflag:s4], $0x0  }
0x19: {  	s7 =	sld [smem:$0x3F9F]  }
0x1a: {  	s8 =	sadd.s32 $0xFFFFE003, lr  }
0x1b: {  	s9 =	sadd.s32 $0xFFFFFEF7, lr;
	s5 =	simm.s32 $0xFFFFFFFF;
	p2 =	slt.u32 s8, $0xFFFFF086  }
0x1c: {  	p1 =	slt.u32 s9, $0xF7A;
	s5 =	simm.s32 @!p2 $0x0  }
0x1d: {  	s5 =	simm.s32 @p1 $0x1;
	p0 =	seq.s32 s7, s2  }
0x1e: {  	s7 =	smul.u32 @!p0 $0xF7A, s2;
	p2 =	seq.s32 @!p0 s5, $0x0  }
0x1f: {  	s9 =	smul.u32 $0xF7A, s1;
	s8 =	simm.s32 @!p0 $0x1BF5;
	p2 =	por !p2, p0  }
0x20: {  	[sflag:s8] =	ssyncset.s32 @!p0 $0xFFFFF086;
	s6 =	sadd.s32 @!p0 s3, s7;
	s7 =	simm.s32 @!p0 $0x108  }
0x21: {  	s3 =	sadd.s32 s3, s9;
	s6 =	sadd.s32 @!p0 $0x88, s6;
	s7 =	simm.s32 @p2 $0x1082  }
0x22: {  	[simem:s7], [sflag:s8] =	dma.local @!p0 [hbm:s6], $0xF7A  }
0x23: {  	s9 =	sor.u32 $0xD0000000, s2;
	s6 =	simm.s32 $0x108;
	_ =	swait.ge @!p0 [sflag:s8], $0x0  }
0x24: {  	s3 =	sadd.s32 $0x88, s3;
	s6 =	simm.s32 @!p1 $0x1082;
	[sflag:s4] =	ssyncset.s32 $0xFFFFF086  }
0x25: {  	[simem:s6], [sflag:s4] =	dma.local [hbm:s3], $0xF7A  }
0x26: {  	[smem:$0x3F9F] =	sst s1;
	(tag) =	ssettag s2;
	_ =	strace s9  }
0x27: {  	s1 =	sld [smem:$0x3FAF]  }
0x28: {  	s2 =	sld [smem:$0x3FB0]  }
0x29: {  	s4 =	sld [smem:$0x3FB2]  }
0x2a: {  	p0 =	seq.s32 s5, $0x0;
	s5 =	sld [smem:$0x3FB3]  }
0x2b: {  	s6 =	sld [smem:$0x3FB4]  }
0x2c: {  	s7 =	sld [smem:$0x3FB5]  }
0x2d: {  	s3 =	simm.s32 $0x108;
	s8 =	sld [smem:$0x3FB6]  }
0x2e: {  	s3 =	simm.s32 @!p0 $0x1082;
	s9 =	sld [smem:$0x3FB7]  }
0x2f: {  	lr =	sadd.s32 s0, s3;
	s0 =	sld [smem:$0x3FAE]  }
0x30: {  	s3 =	sld [smem:$0x3FB1]  }
0x31: {  	[smem:$0x3FBA] =	sst s10  }
0x32: {  	s10 =	sld [smem:$0x3FB8];
	_ =	sdelay $0x3  }
0x33: {  	p0 =	seq.s32 s10, $0x1;
	s10 =	sld [smem:$0x3FBA];
	_ =	sdelay $0x3  }
0x34: {  	[smem:$0x3FBA] =	sst s10  }
0x35: {  	s10 =	sld [smem:$0x3FB9];
	_ =	sdelay $0x3  }
0x36: {  	p1 =	seq.s32 s10, $0x1;
	s10 =	sld [smem:$0x3FBA];
	_ =	sdelay $0x3  }
0x37: {  	[smem:$0x3FBA] =	sst s10  }
0x38: {  	s10 =	sld [smem:$0x3FBB]  }
0x39: {  	_ = 	snop;
	(pc) =	sbr.ind lr, $3  }
0x3a: {  	_ = 	snop  }
0x3b: {  	_ = 	snop  }
0x3c: {  	p2 =	seq.s32 s10, $0x1;
	s10 =	sld [smem:$0x3FBA]  }
0x3d: {  	_ =	shalt  }
0x3e: {  	_ =	shalt  }
0x3f: {  	_ =	shalt  }
0x40: {  	_ =	shalt  }
0x41: {  	_ =	shalt  }
0x42: {  	_ =	shalt  }
0x43: {  	_ =	shalt  }
0x44: {  	_ =	shalt  }
0x45: {  	_ =	shalt  }
0x46: {  	_ =	shalt  }
0x47: {  	_ =	shalt  }
0x48: {  	_ =	shalt  }
0x49: {  	_ =	shalt  }
0x4a: {  	_ =	shalt  }
0x4b: {  	_ =	shalt  }
0x4c: {  	_ =	shalt  }
0x4d: {  	_ =	shalt  }
0x4e: {  	_ =	shalt  }
0x4f: {  	_ =	shalt  }
0x50: {  	_ =	shalt  }
0x51: {  	_ =	shalt  }
0x52: {  	_ =	shalt  }
0x53: {  	_ =	shalt  }
0x54: {  	_ =	shalt  }
0x55: {  	_ =	shalt  }
0x56: {  	_ =	shalt  }
0x57: {  	_ =	shalt  }
0x58: {  	_ =	shalt  }
0x59: {  	_ =	shalt  }
0x5a: {  	_ =	shalt  }
0x5b: {  	_ =	shalt  }
0x5c: {  	_ =	shalt  }
0x5d: {  	_ =	shalt  }
0x5e: {  	_ =	shalt  }
0x5f: {  	_ =	shalt  }
0x60: {  	_ =	shalt  }
0x61: {  	_ =	shalt  }
0x62: {  	_ =	shalt  }
0x63: {  	_ =	shalt  }
0x64: {  	_ =	shalt  }
0x65: {  	_ =	shalt  }
0x66: {  	_ =	shalt  }
0x67: {  	_ =	shalt  }
0x68: {  	_ =	shalt  }
0x69: {  	_ =	shalt  }
0x6a: {  	_ =	shalt  }
0x6b: {  	_ =	shalt  }
0x6c: {  	_ =	shalt  }
0x6d: {  	_ =	shalt  }
0x6e: {  	_ =	shalt  }
0x6f: {  	_ =	shalt  }
0x70: {  	_ =	shalt  }
0x71: {  	_ =	shalt  }
0x72: {  	_ =	shalt  }
0x73: {  	_ =	shalt  }
0x74: {  	_ =	shalt  }
0x75: {  	_ =	shalt  }
0x76: {  	_ =	shalt  }
0x77: {  	_ =	shalt  }
0x78: {  	_ =	shalt  }
0x79: {  	_ =	shalt  }
0x7a: {  	_ =	shalt  }
0x7b: {  	_ =	shalt  }
0x7c: {  	_ =	shalt  }
0x7d: {  	_ =	shalt  }
0x7e: {  	_ =	shalt  }
0x7f: {  	_ =	shalt  }
0x80: {  	_ =	shalt  }
0x81: {  	_ =	shalt  }
0x82: {  	_ =	shalt  }
0x83: {  	_ =	shalt  }
0x84: {  	_ =	shalt  }
0x85: {  	_ =	shalt  }
0x86: {  	_ =	shalt  }
0x87: {  	_ =	shalt  }
.Lfunc_end0:
.L_simem_size_0:
called_computation.1_lowered:
.L_overlay_start_0:
0x88: {  	s2 =	sld [smem:$0x3FD9]  }
0x89: {  	s3 =	sld [smem:$0x3FFE];
	_ =	sdelay $0x1  }
0x8a: {  	s1 =	srdreg.scid  }
0x8b: {  	s0 =	sand.u32 $0x1, s1  }
0x8c: {  	s17 =	sshll.u32 s0, $0xA;
	s2 =	sadd.s32 s3, s2  }
0x8d: {  	s2 =	sadd.s32 s2, s17  }
0x8e: {  	[smem:$0x3FC6] =	sst s2  }
0x8f: {  	_ = 	snop  }
0x90: {  	s2 =	sld [smem:$0x3FD0];
	(tm) =	ssettm $0x1  }
0x91: {  	s18 =	sld [smem:$0x3FFB];
	_ =	sdelay $0x3  }
0x92: {  	_ =	strace s18  }
0x93: {  	s3 =	sld [smem:$0x3FFC];
	_ =	sdelay $0x3  }
0x94: {  	_ =	strace s3  }
0x95: {  	s3 =	sld [smem:$0x3FFD];
	_ =	sdelay $0x3  }
0x96: {  	_ =	strace s3  }
0x97: {  	_ =	strace $0x8FFFFFFF  }
0x98: {  	s19 =	sld [smem:$0x3FDB];
	_ =	sdelay $0x1  }
0x99: {  	s4 =	simm.s32 $_scs_section_size  }
0x9a: {  	s5 =	simm.s32 $_size__tile_overlayer_lowered;
	s6 =	simm.s32 $_tile_overlayer_lowered  }
0x9b: {  	s22 =	simm.s32 $0x1BFF;
	s21 =	sshll.u32 s6, $0x1;
	s3 =	sadd.s32 s4, s19  }
0x9c: {  	s7 =	simm.s32 $0x0;
	s20 =	sshll.u32 s5, $0x1;
	s5 =	sadd.s32 s21, s3  }
0x9d: {  	[timem:s7], [sflag:s22] =	dma.local [hbm:s5], s20  }
0x9e: {  	_ =	swait.ge [sflag:s22], s20  }
0x9f: {  	s4 =	ssub.s32 $0x0, s20;
	[sflag:s22] =	ssyncset.done $0x0  }
0xa0: {  	[sflag:s22] =	ssyncadd.s32 s4;
	_ =	sdelay $0x1  }
0xa1: {  	s23 =	simm.s32 $0x1B8B  }
0xa2: {  	_ =	swait.ge [sflag:s23], $0x1  }
0xa3: {  	[sflag:s23] =	ssyncset.done $0x0  }
0xa4: {  	s25 =	simm.s32 $0x1B8E;
	s24 =	sld [smem:$0x3FFE];
	[sflag:s23] =	ssyncadd.s32 $0xFFFFFFFF  }
0xa5: {  	s26 =	simm.s32 $execute0_lowered;
	[smem:$0x3FD2] =	sst s25  }
0xa6: {  	s5 =	sshll.u32 s26, $0x1;
	_ =	strace $0x80000046;
	[dreg:$0x1] =	wrdreg $0xFFFFFFFF  }
0xa7: {  	s28 =	simm.s32 $_size_execute0_lowered;
	s3 =	sadd.s32 s3, s5;
	[dreg:$0x0] =	wrdreg $0x0  }
0xa8: {  	s5 =	sshll.u32 s28, $0x1;
	[dreg:$0x2] =	wrdreg s3  }
0xa9: {  	[dreg:$0x3] =	wrdreg s5  }
0xaa: {  	[dreg:$0x4] =	wrdreg $0xC0  }
0xab: {  	_ =	task [dreg:s7], $0x5FFFF  }
0xac: {  	[dreg:$0x1] =	wrdreg $0xFFFFFFFF  }
0xad: {  	[dreg:$0x0] =	wrdreg $0x60  }
0xae: {  	[dreg:$0x2] =	wrdreg s24  }
0xaf: {  	[dreg:$0x3] =	wrdreg s2  }
0xb0: {  	[dreg:$0x4] =	wrdreg $0x9  }
0xb1: {  	_ =	task.clear_ibuf [dreg:s7], $0x5FFFF;
	_ =	strace $0x90000046  }
0xb2: {  	s29 =	simm.s32 $0x9;
	_ =	strace $0x80000048  }
0xb3: {  	_ =	swait.ge [sflag:s29], $0x1  }
0xb4: {  	[sflag:s29] =	ssyncadd.s32 $0xFFFFFFFF  }
0xb5: {  	_ =	strace $0x90000048  }
0xb6: {  	_ =	sfence  }
0xb7: {  	s30 =	sld [smem:$0x0];
	_ =	sdelay $0x2  }
0xb8: {  	s31 =	sshll.u32 s1, $0xD;
	s1 =	sshrl.u32 s1, $0x2  }
0xb9: {  	s3 =	sand.u32 $0x4000, s31;
	s1 =	sadd.s32 s1, s30  }
0xba: {  	s0 =	sor.u32 s3, s0;
	s1 =	sshll.u32 s1, $0x11  }
0xbb: {  	s0 =	sor.u32 s1, s0  }
0xbc: {  	s0 =	sadd.s32 $0x8F2B, s0  }
0xbd: {  	[sflag:s0] =	ssyncadd.remote.s32 $0x1  }
0xbe: {  	_ =	sfence.sel $0xFFFF  }
0xbf: {  	[dreg:$0x0] =	wrdreg $0xFFFFFFFF;
	(pc) =	sbr.abs _section_cstart, $3  }
0xc0: {  	[dreg:$0x1] =	wrdreg $0xFFFFFFFF  }
0xc1: {  	_ =	task.clear_ibuf [dreg:s7], $0x2FFFF;
	_ =	strace $0x9FFFFFFF  }
0xc2: {  	(tm) =	ssettm $0x7FFFFFFF  }
0xc3: {  	_ =	shalt  }
tec
execute0_lowered:
.L_overlay_start_1:
0x0: {  	(tag) =	ssettag $0x1  }
0x1: {  	s1 =	srdreg.scid  }
0x2: {  	s2 =	stileid.u32;
	s0 =	rddreg [dreg:$0x0];
	s31 =	simm.s32 $0x2  }
0x3: {  	s30 =	simm.s32 $0x3;
	s3 =	sand.u32 $0x1, s1;
	s2 =	sshll.u32 s2, $0x1  }
0x4: {  	s29 =	simm.s32 $0x4;
	p0 =	por $0x0, $0x0;
	s4 =	sor.u32 s3, s2  }
0x5: {  	s1 =	rddreg [dreg:$0x1];
	s2 =	simm.s32 $0x0;
	s5 =	smul.u32 $0x2800, s4  }
0x6: {  	s28 =	simm.s32 $0x5;
	s6 =	sadd.s32 $0xA00, s0;
	[smem:$0x7FF] =	sst s2  }
0x7: {  	s4 =	smul.u32 $0xA000, s4;
	_ =	strace $0x80000047;
	s7 =	sshrl.u32 s5, $0x3  }
0x8: {  	s8 =	sor.u32 $0x400, s5;
	s26 =	sadd.s32 $0x800, s5;
	s10 =	sadd.s32 $0xC00, s5  }
0x9: {  	s12 =	sadd.s32 $0x1000, s5;
	s23 =	sadd.s32 s1, s4;
	s4 =	simm.s32 $0x400  }
0xa: {  	s7 =	sadd.s32 s6, s7;
	s9 =	sshrl.u32 s8, $0x3;
	s13 =	sshrl.u32 s26, $0x3  }
0xb: {  	s11 =	sshrl.u32 s10, $0x3;
	s15 =	sshrl.u32 s12, $0x3;
	[dreg:$0xd] =	wrdreg s23  }
0xc: {  	s24 =	sshll.u32 s8, $0x2;
	[dreg:$0x3] =	wrdreg s7;
	s25 =	sadd.s32 s6, s9  }
0xd: {  	s26 =	sshll.u32 s26, $0x2;
	s7 =	sadd.s32 s6, s13;
	[dreg:$0x4] =	wrdreg s25  }
0xe: {  	s14 =	sadd.s32 s6, s11;
	s16 =	sadd.s32 s6, s15;
	[dreg:$0x5] =	wrdreg s7  }
0xf: {  	s11 =	sadd.s32 $0x1400, s5;
	s13 =	sadd.s32 $0x1800, s5;
	[dreg:$0x6] =	wrdreg s14  }
0x10: {  	s15 =	sadd.s32 $0x1C00, s5;
	s9 =	sshll.u32 s12, $0x2;
	[dreg:$0x7] =	wrdreg s16  }
0x11: {  	s17 =	sshrl.u32 s11, $0x3;
	s14 =	sshrl.u32 s13, $0x3;
	s19 =	sshrl.u32 s15, $0x3  }
0x12: {  	s25 =	sadd.s32 s1, s24;
	s12 =	sshll.u32 s11, $0x2;
	s11 =	simm.s32 $0x12800  }
0x13: {  	s7 =	sadd.s32 s6, s17;
	s18 =	sadd.s32 s6, s14;
	[dreg:$0xe] =	wrdreg s25  }
0x14: {  	s20 =	sadd.s32 s6, s19;
	s14 =	sadd.s32 $0x2000, s5;
	[dreg:$0x8] =	wrdreg s7  }
0x15: {  	s5 =	sadd.s32 $0x2400, s5;
	s17 =	ssub.s32 $0x2, s3;
	[dreg:$0x9] =	wrdreg s18  }
0x16: {  	s3 =	sadd.s32 $0xF42E00, s0;
	[dreg:$0xa] =	wrdreg s20;
	s21 =	sshrl.u32 s14, $0x3  }
0x17: {  	s16 =	sshrl.u32 s5, $0x3;
	s18 =	sshll.u32 s13, $0x2;
	s20 =	sshll.u32 s15, $0x2  }
0x18: {  	s24 =	sshll.u32 s5, $0x2;
	s25 =	sshrl.u32 s17, $0x1;
	s13 =	simm.s32 $0x2400  }
0x19: {  	s5 =	simm.s32 $0x2800;
	s15 =	simm.s32 $0xC;
	s7 =	sadd.s32 s6, s21  }
0x1a: {  	s22 =	sadd.s32 s6, s16;
	s6 =	sadd.s32 s1, s26;
	s16 =	sadd.s32 s1, s12  }
0x1b: {  	s19 =	sadd.s32 s1, s18;
	s21 =	sadd.s32 s1, s20;
	[dreg:$0xb] =	wrdreg s7  }
0x1c: {  	s26 =	ssub.s32 s17, s25;
	s20 =	simm.s32 $0x1800;
	[dreg:$0xc] =	wrdreg s22  }
0x1d: {  	s18 =	simm.s32 $0x1C00;
	s12 =	simm.s32 $0xD;
	[dreg:$0xf] =	wrdreg s6  }
0x1e: {  	s25 =	simm.s32 $0x6;
	s17 =	simm.s32 $0xA;
	[dreg:$0x12] =	wrdreg s16  }
0x1f: {  	s7 =	sshll.u32 s10, $0x2;
	s10 =	sadd.s32 s1, s9;
	[dreg:$0x13] =	wrdreg s19  }
0x20: {  	s22 =	sshll.u32 s14, $0x2;
	[dreg:$0x14] =	wrdreg s21;
	s0 =	smax.u32 s26, $0x1  }
0x21: {  	s26 =	simm.s32 $0xC00;
	s16 =	simm.s32 $0x2000;
	s14 =	simm.s32 $0xA800  }
0x22: {  	s6 =	simm.s32 $0xB;
	s9 =	simm.s32 $0x10;
	s21 =	simm.s32 $0x8  }
0x23: {  	s19 =	simm.s32 $0x9;
	[dreg:$0x11] =	wrdreg s10;
	p1 =	sne.s32 s0, $0x1  }
.Ltmp0:
0x24: {  	s8 =	sadd.s32 s1, s7;
	s10 =	rddreg [dreg:$0x3];
	(pc) =	sbr.rel @!p1 .LBB2_3-.Ltmp0, $4  }
0x25: {  	s23 =	sadd.s32 s1, s22;
	s1 =	sadd.s32 s1, s24;
	[dreg:$0x10] =	wrdreg s8  }
0x26: {  	s24 =	simm.s32 $0x1000;
	s22 =	simm.s32 $0x1400;
	[dreg:$0x15] =	wrdreg s23  }
0x27: {  	s7 =	simm.s32 $0xE;
	s0 =	sadd.s32 $0xFFFFFFFF, s0;
	[dreg:$0x16] =	wrdreg s1  }
0x28: {  	s1 =	simm.s32 $0x1;
	s8 =	simm.s32 $0xF;
	s23 =	simm.s32 $0x7  }
0x29: {  	[dreg:$0x17] =	wrdreg s0  }
0x2a: {  	s0 =	rddreg [dreg:$0x4]  }
0x2b: {  	[tilespmem:s2], [sflag:$0x1] =	stream.linear.gather [hbm4b:s10+s2], $0x400, $0x38;
	[tilespmem:$0x1A800] =	vst v63  }
0x2c: {  	s10 =	rddreg [dreg:$0x5]  }
0x2d: {  	[tilespmem:s4], [sflag:$0x2] =	stream.linear.gather [hbm4b:s0+s2], $0x400, $0x38;
	[tilespmem:$0x1A800] =	vst v63  }
0x2e: {  	s0 =	rddreg [dreg:$0x6]  }
0x2f: {  	[dreg:$0x18] =	wrdreg s0;
	s0 =	simm.s32 $0x800  }
0x30: {  	[tilespmem:s0], [sflag:$0x3] =	stream.linear.gather [hbm4b:s10+s2], $0x400, $0x38;
	[tilespmem:$0x1A800] =	vst v63  }
0x31: {  	s0 =	rddreg [dreg:$0x18]  }
0x32: {  	[tilespmem:s26], [sflag:$0x4] =	stream.linear.gather [hbm4b:s0+s2], $0x400, $0x38;
	[tilespmem:$0x1A800] =	vst v63  }
0x33: {  	s10 =	rddreg [dreg:$0x7]  }
0x34: {  	[tilespmem:s24], [sflag:$0x5] =	stream.linear.gather [hbm4b:s10+s2], $0x400, $0x38;
	[tilespmem:$0x1A800] =	vst v63  }
0x35: {  	s0 =	rddreg [dreg:$0x8]  }
0x36: {  	[tilespmem:s22], [sflag:$0x6] =	stream.linear.gather [hbm4b:s0+s2], $0x400, $0x38;
	[tilespmem:$0x1A800] =	vst v63  }
0x37: {  	s10 =	rddreg [dreg:$0x9]  }
0x38: {  	[tilespmem:s20], [sflag:$0x7] =	stream.linear.gather [hbm4b:s10+s2], $0x400, $0x38;
	[tilespmem:$0x1A800] =	vst v63  }
0x39: {  	s0 =	rddreg [dreg:$0xa]  }
0x3a: {  	[tilespmem:s18], [sflag:$0x8] =	stream.linear.gather [hbm4b:s0+s2], $0x400, $0x38;
	[tilespmem:$0x1A800] =	vst v63  }
0x3b: {  	s10 =	rddreg [dreg:$0xb]  }
0x3c: {  	[tilespmem:s16], [sflag:$0x9] =	stream.linear.gather [hbm4b:s10+s2], $0x400, $0x38;
	[tilespmem:$0x1A800] =	vst v63  }
0x3d: {  	s0 =	rddreg [dreg:$0xc]  }
0x3e: {  	[tilespmem:s13], [sflag:$0xA] =	stream.linear.gather [hbm4b:s0+s2], $0x400, $0x38;
	[tilespmem:$0x1A800] =	vst v63  }
0x3f: {  	_ =	swait.ge [sflag:s1], $0x400  }
0x40: {  	[sflag:s1] =	ssyncset.done $0x0  }
0x41: {  	[sflag:s1] =	ssyncadd.s32 $0xFFFFFC00  }
0x42: {  	[tilespmem:s5], [sflag:$0xB] =	stream.indirect.gather [hbm4b:s3+s4], $0x20, s2, s4, $0xb8;
	[tilespmem:$0x1A800] =	vst v63  }
0x43: {  	_ =	swait.ge [sflag:s31], $0x400  }
0x44: {  	[sflag:s31] =	ssyncset.done $0x0  }
0x45: {  	[sflag:s31] =	ssyncadd.s32 $0xFFFFFC00  }
0x46: {  	[tilespmem:s14], [sflag:$0xC] =	stream.indirect.gather [hbm4b:s3+s4], $0x20, s4, s4, $0xb8;
	[tilespmem:$0x1A800] =	vst v63  }
0x47: {  	_ =	swait.ge [sflag:s6], $0x8000  }
0x48: {  	[sflag:s6] =	ssyncset.done $0x0  }
0x49: {  	s10 =	rddreg [dreg:$0xd];
	[sflag:s6] =	ssyncadd.s32 $0xFFFF8000  }
0x4a: {  	[hbm4b:s10+s2] =	stream.linear.scatter [tilespmem:s5], [sflag:$0xE], $0x8000, $0x38;
	[tilespmem:$0x1A800] =	vst v63  }
0x4b: {  	_ =	swait.ge [sflag:s30], $0x400  }
0x4c: {  	[sflag:s30] =	ssyncset.done $0x0  }
0x4d: {  	s10 =	simm.s32 $0x800;
	[sflag:s30] =	ssyncadd.s32 $0xFFFFFC00  }
0x4e: {  	[tilespmem:s11], [sflag:$0xD] =	stream.indirect.gather [hbm4b:s3+s4], $0x20, s10, s4, $0xb8;
	[tilespmem:$0x1A800] =	vst v63  }
0x4f: {  	_ =	swait.ge [sflag:s15], $0x8000  }
0x50: {  	[sflag:s15] =	ssyncset.done $0x0  }
0x51: {  	s10 =	rddreg [dreg:$0xe];
	[sflag:s15] =	ssyncadd.s32 $0xFFFF8000  }
0x52: {  	[hbm4b:s10+s2] =	stream.linear.scatter [tilespmem:s14], [sflag:$0xF], $0x8000, $0x38;
	[tilespmem:$0x1A800] =	vst v63  }
0x53: {  	_ =	swait.ge [sflag:s7], $0x8000  }
0x54: {  	[sflag:s7] =	ssyncset.done $0x0  }
0x55: {  	[sflag:s7] =	ssyncadd.s32 $0xFFFF8000  }
0x56: {  	_ =	swait.ge [sflag:s29], $0x400  }
0x57: {  	[sflag:s29] =	ssyncset.done $0x0  }
0x58: {  	[sflag:s29] =	ssyncadd.s32 $0xFFFFFC00  }
0x59: {  	[tilespmem:s5], [sflag:$0xB] =	stream.indirect.gather [hbm4b:s3+s4], $0x20, s26, s4, $0xb8;
	[tilespmem:$0x1A800] =	vst v63  }
0x5a: {  	_ =	swait.ge [sflag:s12], $0x8000  }
0x5b: {  	[sflag:s12] =	ssyncset.done $0x0  }
0x5c: {  	s10 =	rddreg [dreg:$0xf];
	[sflag:s12] =	ssyncadd.s32 $0xFFFF8000  }
0x5d: {  	[hbm4b:s10+s2] =	stream.linear.scatter [tilespmem:s11], [sflag:$0x10], $0x8000, $0x38;
	[tilespmem:$0x1A800] =	vst v63  }
0x5e: {  	_ =	swait.ge [sflag:s8], $0x8000  }
0x5f: {  	[sflag:s8] =	ssyncset.done $0x0  }
0x60: {  	[sflag:s8] =	ssyncadd.s32 $0xFFFF8000  }
0x61: {  	_ =	swait.ge [sflag:s28], $0x400  }
0x62: {  	[sflag:s28] =	ssyncset.done $0x0  }
0x63: {  	[sflag:s28] =	ssyncadd.s32 $0xFFFFFC00  }
0x64: {  	[tilespmem:s14], [sflag:$0xC] =	stream.indirect.gather [hbm4b:s3+s4], $0x20, s24, s4, $0xb8;
	[tilespmem:$0x1A800] =	vst v63  }
0x65: {  	_ =	swait.ge [sflag:s6], $0x8000  }
0x66: {  	[sflag:s6] =	ssyncset.done $0x0  }
0x67: {  	s10 =	rddreg [dreg:$0x10];
	[sflag:s6] =	ssyncadd.s32 $0xFFFF8000  }
0x68: {  	[hbm4b:s10+s2] =	stream.linear.scatter [tilespmem:s5], [sflag:$0xE], $0x8000, $0x38;
	[tilespmem:$0x1A800] =	vst v63  }
0x69: {  	_ =	swait.ge [sflag:s9], $0x8000  }
0x6a: {  	[sflag:s9] =	ssyncset.done $0x0  }
0x6b: {  	[sflag:s9] =	ssyncadd.s32 $0xFFFF8000  }
0x6c: {  	_ =	swait.ge [sflag:s25], $0x400  }
0x6d: {  	[sflag:s25] =	ssyncset.done $0x0  }
0x6e: {  	[sflag:s25] =	ssyncadd.s32 $0xFFFFFC00  }
0x6f: {  	[tilespmem:s11], [sflag:$0xD] =	stream.indirect.gather [hbm4b:s3+s4], $0x20, s22, s4, $0xb8;
	[tilespmem:$0x1A800] =	vst v63  }
0x70: {  	_ =	swait.ge [sflag:s15], $0x8000  }
0x71: {  	[sflag:s15] =	ssyncset.done $0x0  }
0x72: {  	s10 =	rddreg [dreg:$0x11];
	[sflag:s15] =	ssyncadd.s32 $0xFFFF8000  }
0x73: {  	[hbm4b:s10+s2] =	stream.linear.scatter [tilespmem:s14], [sflag:$0xF], $0x8000, $0x38;
	[tilespmem:$0x1A800] =	vst v63  }
0x74: {  	_ =	swait.ge [sflag:s7], $0x8000  }
0x75: {  	[sflag:s7] =	ssyncset.done $0x0  }
0x76: {  	[sflag:s7] =	ssyncadd.s32 $0xFFFF8000  }
0x77: {  	_ =	swait.ge [sflag:s23], $0x400  }
0x78: {  	[sflag:s23] =	ssyncset.done $0x0  }
0x79: {  	[sflag:s23] =	ssyncadd.s32 $0xFFFFFC00  }
0x7a: {  	[tilespmem:s5], [sflag:$0xB] =	stream.indirect.gather [hbm4b:s3+s4], $0x20, s20, s4, $0xb8;
	[tilespmem:$0x1A800] =	vst v63  }
0x7b: {  	_ =	swait.ge [sflag:s12], $0x8000  }
0x7c: {  	[sflag:s12] =	ssyncset.done $0x0  }
0x7d: {  	s10 =	rddreg [dreg:$0x12];
	[sflag:s12] =	ssyncadd.s32 $0xFFFF8000  }
0x7e: {  	[hbm4b:s10+s2] =	stream.linear.scatter [tilespmem:s11], [sflag:$0x10], $0x8000, $0x38;
	[tilespmem:$0x1A800] =	vst v63  }
0x7f: {  	_ =	swait.ge [sflag:s8], $0x8000  }
0x80: {  	[sflag:s8] =	ssyncset.done $0x0  }
0x81: {  	[sflag:s8] =	ssyncadd.s32 $0xFFFF8000  }
0x82: {  	_ =	swait.ge [sflag:s21], $0x400  }
0x83: {  	[sflag:s21] =	ssyncset.done $0x0  }
0x84: {  	[sflag:s21] =	ssyncadd.s32 $0xFFFFFC00  }
0x85: {  	[tilespmem:s14], [sflag:$0xC] =	stream.indirect.gather [hbm4b:s3+s4], $0x20, s18, s4, $0xb8;
	[tilespmem:$0x1A800] =	vst v63  }
0x86: {  	_ =	swait.ge [sflag:s6], $0x8000  }
0x87: {  	[sflag:s6] =	ssyncset.done $0x0  }
0x88: {  	s10 =	rddreg [dreg:$0x13];
	[sflag:s6] =	ssyncadd.s32 $0xFFFF8000  }
0x89: {  	[hbm4b:s10+s2] =	stream.linear.scatter [tilespmem:s5], [sflag:$0xE], $0x8000, $0x38;
	[tilespmem:$0x1A800] =	vst v63  }
0x8a: {  	_ =	swait.ge [sflag:s9], $0x8000  }
0x8b: {  	[sflag:s9] =	ssyncset.done $0x0  }
0x8c: {  	[sflag:s9] =	ssyncadd.s32 $0xFFFF8000  }
0x8d: {  	_ =	swait.ge [sflag:s19], $0x400  }
0x8e: {  	[sflag:s19] =	ssyncset.done $0x0  }
0x8f: {  	[sflag:s19] =	ssyncadd.s32 $0xFFFFFC00  }
0x90: {  	[tilespmem:s11], [sflag:$0xD] =	stream.indirect.gather [hbm4b:s3+s4], $0x20, s16, s4, $0xb8;
	[tilespmem:$0x1A800] =	vst v63  }
0x91: {  	_ =	swait.ge [sflag:s15], $0x8000  }
0x92: {  	[sflag:s15] =	ssyncset.done $0x0  }
0x93: {  	s10 =	rddreg [dreg:$0x14];
	[sflag:s15] =	ssyncadd.s32 $0xFFFF8000  }
0x94: {  	[hbm4b:s10+s2] =	stream.linear.scatter [tilespmem:s14], [sflag:$0xF], $0x8000, $0x38;
	[tilespmem:$0x1A800] =	vst v63  }
0x95: {  	_ =	swait.ge [sflag:s7], $0x8000  }
0x96: {  	[sflag:s7] =	ssyncset.done $0x0  }
0x97: {  	[sflag:s7] =	ssyncadd.s32 $0xFFFF8000  }
0x98: {  	_ =	swait.ge [sflag:s17], $0x400  }
0x99: {  	[sflag:s17] =	ssyncset.done $0x0  }
0x9a: {  	[sflag:s17] =	ssyncadd.s32 $0xFFFFFC00  }
0x9b: {  	[tilespmem:s5], [sflag:$0xB] =	stream.indirect.gather [hbm4b:s3+s4], $0x20, s13, s4, $0xb8;
	[tilespmem:$0x1A800] =	vst v63  }
0x9c: {  	_ =	swait.ge [sflag:s12], $0x8000  }
0x9d: {  	[sflag:s12] =	ssyncset.done $0x0  }
0x9e: {  	s10 =	rddreg [dreg:$0x15];
	[sflag:s12] =	ssyncadd.s32 $0xFFFF8000  }
0x9f: {  	[hbm4b:s10+s2] =	stream.linear.scatter [tilespmem:s11], [sflag:$0x10], $0x8000, $0x38;
	[tilespmem:$0x1A800] =	vst v63  }
0xa0: {  	_ =	swait.ge [sflag:s6], $0x8000  }
0xa1: {  	[sflag:s6] =	ssyncset.done $0x0  }
0xa2: {  	s10 =	rddreg [dreg:$0x16];
	[sflag:s6] =	ssyncadd.s32 $0xFFFF8000  }
0xa3: {  	[hbm4b:s10+s2] =	stream.linear.scatter [tilespmem:s5], [sflag:$0xE], $0x8000, $0x38;
	[tilespmem:$0x1A800] =	vst v63  }
0xa4: {  	_ =	swait.ge [sflag:s7], $0x8000  }
0xa5: {  	[sflag:s7] =	ssyncset.done $0x0  }
0xa6: {  	[sflag:s7] =	ssyncadd.s32 $0xFFFF8000  }
0xa7: {  	_ =	swait.ge [sflag:s8], $0x8000  }
0xa8: {  	s10 =	rddreg [dreg:$0x17]  }
0xa9: {  	p1 =	sne.s32 s10, $0x1  }
.Ltmp1:
0xaa: {  	_ = 	snop;
	(pc) =	sbr.rel @!p1 .LBB2_3-.Ltmp1, $4  }
0xab: {  	[sflag:s8] =	ssyncset.done $0x0  }
0xac: {  	[sflag:s8] =	ssyncadd.s32 $0xFFFF8000  }
0xad: {  	p0 =	por $0x1, $0x1;
	_ =	swait.ge [sflag:s9], $0x8000  }
0xae: {  	s0 =	sadd.s32 $0xFFFFFFFF, s10;
	s10 =	rddreg [dreg:$0x3];
	[sflag:s9] =	ssyncset.done $0x0  }
.LBB2_2:
0xaf: {  	[sflag:s9] =	ssyncadd.s32 $0xFFFF8000  }
0xb0: {  	[tilespmem:s2], [sflag:$0x1] =	stream.linear.gather [hbm4b:s10+s2], $0x400, $0x38;
	[tilespmem:$0x1A800] =	vst v63  }
0xb1: {  	s13 =	rddreg [dreg:$0x4]  }
0xb2: {  	[tilespmem:s4], [sflag:$0x2] =	stream.linear.gather [hbm4b:s13+s2], $0x400, $0x38;
	[tilespmem:$0x1A800] =	vst v63  }
0xb3: {  	s19 =	simm.s32 $0x800;
	s10 =	rddreg [dreg:$0x5]  }
0xb4: {  	[tilespmem:s19], [sflag:$0x3] =	stream.linear.gather [hbm4b:s10+s2], $0x400, $0x38;
	[tilespmem:$0x1A800] =	vst v63  }
0xb5: {  	s17 =	simm.s32 $0xC00;
	s13 =	rddreg [dreg:$0x6]  }
0xb6: {  	[tilespmem:s17], [sflag:$0x4] =	stream.linear.gather [hbm4b:s13+s2], $0x400, $0x38;
	[tilespmem:$0x1A800] =	vst v63  }
0xb7: {  	s26 =	simm.s32 $0x1000;
	s10 =	rddreg [dreg:$0x7]  }
0xb8: {  	[tilespmem:s26], [sflag:$0x5] =	stream.linear.gather [hbm4b:s10+s2], $0x400, $0x38;
	[tilespmem:$0x1A800] =	vst v63  }
0xb9: {  	s24 =	simm.s32 $0x1400;
	s13 =	rddreg [dreg:$0x8]  }
0xba: {  	[tilespmem:s24], [sflag:$0x6] =	stream.linear.gather [hbm4b:s13+s2], $0x400, $0x38;
	[tilespmem:$0x1A800] =	vst v63  }
0xbb: {  	s22 =	simm.s32 $0x1800;
	s10 =	rddreg [dreg:$0x9]  }
0xbc: {  	[tilespmem:s22], [sflag:$0x7] =	stream.linear.gather [hbm4b:s10+s2], $0x400, $0x38;
	[tilespmem:$0x1A800] =	vst v63  }
0xbd: {  	s20 =	simm.s32 $0x1C00;
	s13 =	rddreg [dreg:$0xa]  }
0xbe: {  	[tilespmem:s20], [sflag:$0x8] =	stream.linear.gather [hbm4b:s13+s2], $0x400, $0x38;
	[tilespmem:$0x1A800] =	vst v63  }
0xbf: {  	s18 =	simm.s32 $0x2000;
	s10 =	rddreg [dreg:$0xb]  }
0xc0: {  	[tilespmem:s18], [sflag:$0x9] =	stream.linear.gather [hbm4b:s10+s2], $0x400, $0x38;
	[tilespmem:$0x1A800] =	vst v63  }
0xc1: {  	s16 =	simm.s32 $0x2400;
	s13 =	rddreg [dreg:$0xc]  }
0xc2: {  	[tilespmem:s16], [sflag:$0xA] =	stream.linear.gather [hbm4b:s13+s2], $0x400, $0x38;
	[tilespmem:$0x1A800] =	vst v63  }
0xc3: {  	_ =	swait.ge [sflag:s1], $0x400  }
0xc4: {  	[sflag:s1] =	ssyncset.done $0x0  }
0xc5: {  	[sflag:s1] =	ssyncadd.s32 $0xFFFFFC00  }
0xc6: {  	[tilespmem:s5], [sflag:$0xB] =	stream.indirect.gather [hbm4b:s3+s4], $0x20, s2, s4, $0xb8;
	[tilespmem:$0x1A800] =	vst v63  }
0xc7: {  	_ =	swait.ge [sflag:s31], $0x400  }
0xc8: {  	[sflag:s31] =	ssyncset.done $0x0  }
0xc9: {  	[sflag:s31] =	ssyncadd.s32 $0xFFFFFC00  }
0xca: {  	[tilespmem:s14], [sflag:$0xC] =	stream.indirect.gather [hbm4b:s3+s4], $0x20, s4, s4, $0xb8;
	[tilespmem:$0x1A800] =	vst v63  }
0xcb: {  	_ =	swait.ge [sflag:s6], $0x8000  }
0xcc: {  	[sflag:s6] =	ssyncset.done $0x0  }
0xcd: {  	s10 =	rddreg [dreg:$0xd];
	[sflag:s6] =	ssyncadd.s32 $0xFFFF8000  }
0xce: {  	[hbm4b:s10+s2] =	stream.linear.scatter [tilespmem:s5], [sflag:$0xE], $0x8000, $0x38;
	[tilespmem:$0x1A800] =	vst v63  }
0xcf: {  	_ =	swait.ge [sflag:s30], $0x400  }
0xd0: {  	[sflag:s30] =	ssyncset.done $0x0  }
0xd1: {  	[sflag:s30] =	ssyncadd.s32 $0xFFFFFC00  }
0xd2: {  	[tilespmem:s11], [sflag:$0xD] =	stream.indirect.gather [hbm4b:s3+s4], $0x20, s19, s4, $0xb8;
	[tilespmem:$0x1A800] =	vst v63  }
0xd3: {  	_ =	swait.ge [sflag:s15], $0x8000  }
0xd4: {  	[sflag:s15] =	ssyncset.done $0x0  }
0xd5: {  	s10 =	rddreg [dreg:$0xe];
	[sflag:s15] =	ssyncadd.s32 $0xFFFF8000  }
0xd6: {  	[hbm4b:s10+s2] =	stream.linear.scatter [tilespmem:s14], [sflag:$0xF], $0x8000, $0x38;
	[tilespmem:$0x1A800] =	vst v63  }
0xd7: {  	_ =	swait.ge [sflag:s7], $0x8000  }
0xd8: {  	[sflag:s7] =	ssyncset.done $0x0  }
0xd9: {  	[sflag:s7] =	ssyncadd.s32 $0xFFFF8000  }
0xda: {  	_ =	swait.ge [sflag:s29], $0x400  }
0xdb: {  	[sflag:s29] =	ssyncset.done $0x0  }
0xdc: {  	s26 =	simm.s32 $0xC00;
	[sflag:s29] =	ssyncadd.s32 $0xFFFFFC00  }
0xdd: {  	[tilespmem:s5], [sflag:$0xB] =	stream.indirect.gather [hbm4b:s3+s4], $0x20, s26, s4, $0xb8;
	[tilespmem:$0x1A800] =	vst v63  }
0xde: {  	_ =	swait.ge [sflag:s12], $0x8000  }
0xdf: {  	[sflag:s12] =	ssyncset.done $0x0  }
0xe0: {  	s10 =	rddreg [dreg:$0xf];
	[sflag:s12] =	ssyncadd.s32 $0xFFFF8000  }
0xe1: {  	[hbm4b:s10+s2] =	stream.linear.scatter [tilespmem:s11], [sflag:$0x10], $0x8000, $0x38;
	[tilespmem:$0x1A800] =	vst v63  }
0xe2: {  	_ =	swait.ge [sflag:s8], $0x8000  }
0xe3: {  	[sflag:s8] =	ssyncset.done $0x0  }
0xe4: {  	[sflag:s8] =	ssyncadd.s32 $0xFFFF8000  }
0xe5: {  	_ =	swait.ge [sflag:s28], $0x400  }
0xe6: {  	[sflag:s28] =	ssyncset.done $0x0  }
0xe7: {  	s24 =	simm.s32 $0x1000;
	[sflag:s28] =	ssyncadd.s32 $0xFFFFFC00  }
0xe8: {  	[tilespmem:s14], [sflag:$0xC] =	stream.indirect.gather [hbm4b:s3+s4], $0x20, s24, s4, $0xb8;
	[tilespmem:$0x1A800] =	vst v63  }
0xe9: {  	_ =	swait.ge [sflag:s6], $0x8000  }
0xea: {  	[sflag:s6] =	ssyncset.done $0x0  }
0xeb: {  	s10 =	rddreg [dreg:$0x10];
	[sflag:s6] =	ssyncadd.s32 $0xFFFF8000  }
0xec: {  	[hbm4b:s10+s2] =	stream.linear.scatter [tilespmem:s5], [sflag:$0xE], $0x8000, $0x38;
	[tilespmem:$0x1A800] =	vst v63  }
0xed: {  	_ =	swait.ge [sflag:s9], $0x8000  }
0xee: {  	[sflag:s9] =	ssyncset.done $0x0  }
0xef: {  	[sflag:s9] =	ssyncadd.s32 $0xFFFF8000  }
0xf0: {  	_ =	swait.ge [sflag:s25], $0x400  }
0xf1: {  	[sflag:s25] =	ssyncset.done $0x0  }
0xf2: {  	s22 =	simm.s32 $0x1400;
	[sflag:s25] =	ssyncadd.s32 $0xFFFFFC00  }
0xf3: {  	[tilespmem:s11], [sflag:$0xD] =	stream.indirect.gather [hbm4b:s3+s4], $0x20, s22, s4, $0xb8;
	[tilespmem:$0x1A800] =	vst v63  }
0xf4: {  	_ =	swait.ge [sflag:s15], $0x8000  }
0xf5: {  	[sflag:s15] =	ssyncset.done $0x0  }
0xf6: {  	s10 =	rddreg [dreg:$0x11];
	[sflag:s15] =	ssyncadd.s32 $0xFFFF8000  }
0xf7: {  	[hbm4b:s10+s2] =	stream.linear.scatter [tilespmem:s14], [sflag:$0xF], $0x8000, $0x38;
	[tilespmem:$0x1A800] =	vst v63  }
0xf8: {  	_ =	swait.ge [sflag:s7], $0x8000  }
0xf9: {  	[sflag:s7] =	ssyncset.done $0x0  }
0xfa: {  	[sflag:s7] =	ssyncadd.s32 $0xFFFF8000  }
0xfb: {  	_ =	swait.ge [sflag:s23], $0x400  }
0xfc: {  	[sflag:s23] =	ssyncset.done $0x0  }
0xfd: {  	s20 =	simm.s32 $0x1800;
	[sflag:s23] =	ssyncadd.s32 $0xFFFFFC00  }
0xfe: {  	[tilespmem:s5], [sflag:$0xB] =	stream.indirect.gather [hbm4b:s3+s4], $0x20, s20, s4, $0xb8;
	[tilespmem:$0x1A800] =	vst v63  }
0xff: {  	_ =	swait.ge [sflag:s12], $0x8000  }
0x100: {  	[sflag:s12] =	ssyncset.done $0x0  }
0x101: {  	s10 =	rddreg [dreg:$0x12];
	[sflag:s12] =	ssyncadd.s32 $0xFFFF8000  }
0x102: {  	[hbm4b:s10+s2] =	stream.linear.scatter [tilespmem:s11], [sflag:$0x10], $0x8000, $0x38;
	[tilespmem:$0x1A800] =	vst v63  }
0x103: {  	_ =	swait.ge [sflag:s8], $0x8000  }
0x104: {  	[sflag:s8] =	ssyncset.done $0x0  }
0x105: {  	[sflag:s8] =	ssyncadd.s32 $0xFFFF8000  }
0x106: {  	_ =	swait.ge [sflag:s21], $0x400  }
0x107: {  	[sflag:s21] =	ssyncset.done $0x0  }
0x108: {  	s18 =	simm.s32 $0x1C00;
	[sflag:s21] =	ssyncadd.s32 $0xFFFFFC00  }
0x109: {  	[tilespmem:s14], [sflag:$0xC] =	stream.indirect.gather [hbm4b:s3+s4], $0x20, s18, s4, $0xb8;
	[tilespmem:$0x1A800] =	vst v63  }
0x10a: {  	_ =	swait.ge [sflag:s6], $0x8000  }
0x10b: {  	[sflag:s6] =	ssyncset.done $0x0  }
0x10c: {  	s10 =	rddreg [dreg:$0x13];
	[sflag:s6] =	ssyncadd.s32 $0xFFFF8000  }
0x10d: {  	[hbm4b:s10+s2] =	stream.linear.scatter [tilespmem:s5], [sflag:$0xE], $0x8000, $0x38;
	[tilespmem:$0x1A800] =	vst v63  }
0x10e: {  	_ =	swait.ge [sflag:s9], $0x8000  }
0x10f: {  	[sflag:s9] =	ssyncset.done $0x0  }
0x110: {  	s19 =	simm.s32 $0x9;
	[sflag:s9] =	ssyncadd.s32 $0xFFFF8000  }
0x111: {  	_ =	swait.ge [sflag:s19], $0x400  }
0x112: {  	[sflag:s19] =	ssyncset.done $0x0  }
0x113: {  	s16 =	simm.s32 $0x2000;
	[sflag:s19] =	ssyncadd.s32 $0xFFFFFC00  }
0x114: {  	[tilespmem:s11], [sflag:$0xD] =	stream.indirect.gather [hbm4b:s3+s4], $0x20, s16, s4, $0xb8;
	[tilespmem:$0x1A800] =	vst v63  }
0x115: {  	_ =	swait.ge [sflag:s15], $0x8000  }
0x116: {  	[sflag:s15] =	ssyncset.done $0x0  }
0x117: {  	s10 =	rddreg [dreg:$0x14];
	[sflag:s15] =	ssyncadd.s32 $0xFFFF8000  }
0x118: {  	[hbm4b:s10+s2] =	stream.linear.scatter [tilespmem:s14], [sflag:$0xF], $0x8000, $0x38;
	[tilespmem:$0x1A800] =	vst v63  }
0x119: {  	_ =	swait.ge [sflag:s7], $0x8000  }
0x11a: {  	[sflag:s7] =	ssyncset.done $0x0  }
0x11b: {  	s17 =	simm.s32 $0xA;
	[sflag:s7] =	ssyncadd.s32 $0xFFFF8000  }
0x11c: {  	_ =	swait.ge [sflag:s17], $0x400  }
0x11d: {  	[sflag:s17] =	ssyncset.done $0x0  }
0x11e: {  	s13 =	simm.s32 $0x2400;
	[sflag:s17] =	ssyncadd.s32 $0xFFFFFC00  }
0x11f: {  	[tilespmem:s5], [sflag:$0xB] =	stream.indirect.gather [hbm4b:s3+s4], $0x20, s13, s4, $0xb8;
	[tilespmem:$0x1A800] =	vst v63  }
0x120: {  	_ =	swait.ge [sflag:s12], $0x8000  }
0x121: {  	[sflag:s12] =	ssyncset.done $0x0  }
0x122: {  	s10 =	rddreg [dreg:$0x15];
	[sflag:s12] =	ssyncadd.s32 $0xFFFF8000  }
0x123: {  	[hbm4b:s10+s2] =	stream.linear.scatter [tilespmem:s11], [sflag:$0x10], $0x8000, $0x38;
	[tilespmem:$0x1A800] =	vst v63  }
0x124: {  	_ =	swait.ge [sflag:s6], $0x8000  }
0x125: {  	[sflag:s6] =	ssyncset.done $0x0  }
0x126: {  	s10 =	rddreg [dreg:$0x16];
	[sflag:s6] =	ssyncadd.s32 $0xFFFF8000  }
0x127: {  	[hbm4b:s10+s2] =	stream.linear.scatter [tilespmem:s5], [sflag:$0xE], $0x8000, $0x38;
	[tilespmem:$0x1A800] =	vst v63  }
0x128: {  	_ =	swait.ge [sflag:s7], $0x8000  }
0x129: {  	[sflag:s7] =	ssyncset.done $0x0  }
0x12a: {  	p1 =	sne.s32 s0, $0x1;
	[sflag:s7] =	ssyncadd.s32 $0xFFFF8000  }
.Ltmp2:
0x12b: {  	_ =	swait.ge [sflag:s8], $0x8000;
	(pc) =	sbr.rel @p1 .LBB2_2-.Ltmp2, $4  }
0x12c: {  	[sflag:s8] =	ssyncset.done $0x0  }
0x12d: {  	[sflag:s8] =	ssyncadd.s32 $0xFFFF8000  }
0x12e: {  	_ =	swait.ge [sflag:s9], $0x8000  }
0x12f: {  	s0 =	sadd.s32 $0xFFFFFFFF, s0;
	s10 =	rddreg [dreg:$0x3];
	[sflag:s9] =	ssyncset.done $0x0  }
.LBB2_3:
0x130: {  	[sflag:s9] =	ssyncadd.s32 @p0 $0xFFFF8000;
	s0 =	rddreg [dreg:$0x4]  }
0x131: {  	[tilespmem:s2], [sflag:$0x1] =	stream.linear.gather [hbm4b:s10+s2], $0x400, $0x38;
	[tilespmem:$0x1A800] =	vst v63  }
0x132: {  	s10 =	rddreg [dreg:$0x5]  }
0x133: {  	[tilespmem:s4], [sflag:$0x2] =	stream.linear.gather [hbm4b:s0+s2], $0x400, $0x38;
	[tilespmem:$0x1A800] =	vst v63  }
0x134: {  	s0 =	rddreg [dreg:$0x6]  }
0x135: {  	[dreg:$0x19] =	wrdreg s0;
	s0 =	simm.s32 $0x800  }
0x136: {  	[tilespmem:s0], [sflag:$0x3] =	stream.linear.gather [hbm4b:s10+s2], $0x400, $0x38;
	[tilespmem:$0x1A800] =	vst v63  }
0x137: {  	s0 =	rddreg [dreg:$0x19]  }
0x138: {  	[tilespmem:s26], [sflag:$0x4] =	stream.linear.gather [hbm4b:s0+s2], $0x400, $0x38;
	[tilespmem:$0x1A800] =	vst v63  }
0x139: {  	s10 =	rddreg [dreg:$0x7]  }
0x13a: {  	[tilespmem:s24], [sflag:$0x5] =	stream.linear.gather [hbm4b:s10+s2], $0x400, $0x38;
	[tilespmem:$0x1A800] =	vst v63  }
0x13b: {  	s0 =	rddreg [dreg:$0x8]  }
0x13c: {  	[tilespmem:s22], [sflag:$0x6] =	stream.linear.gather [hbm4b:s0+s2], $0x400, $0x38;
	[tilespmem:$0x1A800] =	vst v63  }
0x13d: {  	s10 =	rddreg [dreg:$0x9]  }
0x13e: {  	[tilespmem:s20], [sflag:$0x7] =	stream.linear.gather [hbm4b:s10+s2], $0x400, $0x38;
	[tilespmem:$0x1A800] =	vst v63  }
0x13f: {  	s0 =	rddreg [dreg:$0xa]  }
0x140: {  	[tilespmem:s18], [sflag:$0x8] =	stream.linear.gather [hbm4b:s0+s2], $0x400, $0x38;
	[tilespmem:$0x1A800] =	vst v63  }
0x141: {  	s10 =	rddreg [dreg:$0xb]  }
0x142: {  	[tilespmem:s16], [sflag:$0x9] =	stream.linear.gather [hbm4b:s10+s2], $0x400, $0x38;
	[tilespmem:$0x1A800] =	vst v63  }
0x143: {  	s0 =	rddreg [dreg:$0xc]  }
0x144: {  	[tilespmem:s13], [sflag:$0xA] =	stream.linear.gather [hbm4b:s0+s2], $0x400, $0x38;
	[tilespmem:$0x1A800] =	vst v63  }
0x145: {  	_ =	swait.ge [sflag:s1], $0x400  }
0x146: {  	[sflag:s1] =	ssyncset.done $0x0  }
0x147: {  	[sflag:s1] =	ssyncadd.s32 $0xFFFFFC00  }
0x148: {  	[tilespmem:s5], [sflag:$0xB] =	stream.indirect.gather [hbm4b:s3+s4], $0x20, s2, s4, $0xb8;
	[tilespmem:$0x1A800] =	vst v63  }
0x149: {  	_ =	swait.ge [sflag:s31], $0x400  }
0x14a: {  	[sflag:s31] =	ssyncset.done $0x0  }
0x14b: {  	[sflag:s31] =	ssyncadd.s32 $0xFFFFFC00  }
0x14c: {  	[tilespmem:s14], [sflag:$0xC] =	stream.indirect.gather [hbm4b:s3+s4], $0x20, s4, s4, $0xb8;
	[tilespmem:$0x1A800] =	vst v63  }
0x14d: {  	_ =	swait.ge [sflag:s6], $0x8000  }
0x14e: {  	[sflag:s6] =	ssyncset.done $0x0  }
0x14f: {  	s10 =	rddreg [dreg:$0xd];
	[sflag:s6] =	ssyncadd.s32 $0xFFFF8000  }
0x150: {  	[hbm4b:s10+s2] =	stream.linear.scatter [tilespmem:s5], [sflag:$0xE], $0x8000, $0x38;
	[tilespmem:$0x1A800] =	vst v63  }
0x151: {  	_ =	swait.ge [sflag:s30], $0x400  }
0x152: {  	[sflag:s30] =	ssyncset.done $0x0  }
0x153: {  	[sflag:s30] =	ssyncadd.s32 $0xFFFFFC00;
	s30 =	simm.s32 $0x800  }
0x154: {  	[tilespmem:s11], [sflag:$0xD] =	stream.indirect.gather [hbm4b:s3+s4], $0x20, s30, s4, $0xb8;
	[tilespmem:$0x1A800] =	vst v63  }
0x155: {  	_ =	swait.ge [sflag:s15], $0x8000  }
0x156: {  	[sflag:s15] =	ssyncset.done $0x0  }
0x157: {  	s31 =	rddreg [dreg:$0xe];
	[sflag:s15] =	ssyncadd.s32 $0xFFFF8000  }
0x158: {  	[hbm4b:s31+s2] =	stream.linear.scatter [tilespmem:s14], [sflag:$0xF], $0x8000, $0x38;
	[tilespmem:$0x1A800] =	vst v63  }
0x159: {  	_ =	swait.ge [sflag:s7], $0x8000  }
0x15a: {  	[sflag:s7] =	ssyncset.done $0x0  }
0x15b: {  	[sflag:s7] =	ssyncadd.s32 $0xFFFF8000  }
0x15c: {  	_ =	swait.ge [sflag:s29], $0x400  }
0x15d: {  	[sflag:s29] =	ssyncset.done $0x0  }
0x15e: {  	[sflag:s29] =	ssyncadd.s32 $0xFFFFFC00  }
0x15f: {  	[tilespmem:s5], [sflag:$0xB] =	stream.indirect.gather [hbm4b:s3+s4], $0x20, s26, s4, $0xb8;
	[tilespmem:$0x1A800] =	vst v63  }
0x160: {  	_ =	swait.ge [sflag:s12], $0x8000  }
0x161: {  	[sflag:s12] =	ssyncset.done $0x0  }
0x162: {  	s1 =	rddreg [dreg:$0xf];
	[sflag:s12] =	ssyncadd.s32 $0xFFFF8000  }
0x163: {  	[hbm4b:s1+s2] =	stream.linear.scatter [tilespmem:s11], [sflag:$0x10], $0x8000, $0x38;
	[tilespmem:$0x1A800] =	vst v63  }
0x164: {  	_ =	swait.ge [sflag:s8], $0x8000  }
0x165: {  	[sflag:s8] =	ssyncset.done $0x0  }
0x166: {  	[sflag:s8] =	ssyncadd.s32 $0xFFFF8000  }
0x167: {  	_ =	swait.ge [sflag:s28], $0x400  }
0x168: {  	[sflag:s28] =	ssyncset.done $0x0  }
0x169: {  	[sflag:s28] =	ssyncadd.s32 $0xFFFFFC00  }
0x16a: {  	[tilespmem:s14], [sflag:$0xC] =	stream.indirect.gather [hbm4b:s3+s4], $0x20, s24, s4, $0xb8;
	[tilespmem:$0x1A800] =	vst v63  }
0x16b: {  	_ =	swait.ge [sflag:s6], $0x8000  }
0x16c: {  	[sflag:s6] =	ssyncset.done $0x0  }
0x16d: {  	s10 =	rddreg [dreg:$0x10];
	[sflag:s6] =	ssyncadd.s32 $0xFFFF8000  }
0x16e: {  	[hbm4b:s10+s2] =	stream.linear.scatter [tilespmem:s5], [sflag:$0xE], $0x8000, $0x38;
	[tilespmem:$0x1A800] =	vst v63  }
0x16f: {  	_ =	swait.ge [sflag:s9], $0x8000  }
0x170: {  	[sflag:s9] =	ssyncset.done $0x0  }
0x171: {  	[sflag:s9] =	ssyncadd.s32 $0xFFFF8000  }
0x172: {  	_ =	swait.ge [sflag:s25], $0x400  }
0x173: {  	[sflag:s25] =	ssyncset.done $0x0  }
0x174: {  	[sflag:s25] =	ssyncadd.s32 $0xFFFFFC00  }
0x175: {  	[tilespmem:s11], [sflag:$0xD] =	stream.indirect.gather [hbm4b:s3+s4], $0x20, s22, s4, $0xb8;
	[tilespmem:$0x1A800] =	vst v63  }
0x176: {  	_ =	swait.ge [sflag:s15], $0x8000  }
0x177: {  	[sflag:s15] =	ssyncset.done $0x0  }
0x178: {  	s24 =	rddreg [dreg:$0x11];
	[sflag:s15] =	ssyncadd.s32 $0xFFFF8000  }
0x179: {  	[hbm4b:s24+s2] =	stream.linear.scatter [tilespmem:s14], [sflag:$0xF], $0x8000, $0x38;
	[tilespmem:$0x1A800] =	vst v63  }
0x17a: {  	_ =	swait.ge [sflag:s7], $0x8000  }
0x17b: {  	[sflag:s7] =	ssyncset.done $0x0  }
0x17c: {  	[sflag:s7] =	ssyncadd.s32 $0xFFFF8000  }
0x17d: {  	_ =	swait.ge [sflag:s23], $0x400  }
0x17e: {  	[sflag:s23] =	ssyncset.done $0x0  }
0x17f: {  	[sflag:s23] =	ssyncadd.s32 $0xFFFFFC00  }
0x180: {  	[tilespmem:s5], [sflag:$0xB] =	stream.indirect.gather [hbm4b:s3+s4], $0x20, s20, s4, $0xb8;
	[tilespmem:$0x1A800] =	vst v63  }
0x181: {  	_ =	swait.ge [sflag:s12], $0x8000  }
0x182: {  	[sflag:s12] =	ssyncset.done $0x0  }
0x183: {  	s25 =	rddreg [dreg:$0x12];
	[sflag:s12] =	ssyncadd.s32 $0xFFFF8000  }
0x184: {  	[hbm4b:s25+s2] =	stream.linear.scatter [tilespmem:s11], [sflag:$0x10], $0x8000, $0x38;
	[tilespmem:$0x1A800] =	vst v63  }
0x185: {  	_ =	swait.ge [sflag:s8], $0x8000  }
0x186: {  	[sflag:s8] =	ssyncset.done $0x0  }
0x187: {  	[sflag:s8] =	ssyncadd.s32 $0xFFFF8000  }
0x188: {  	_ =	swait.ge [sflag:s21], $0x400  }
0x189: {  	[sflag:s21] =	ssyncset.done $0x0  }
0x18a: {  	[sflag:s21] =	ssyncadd.s32 $0xFFFFFC00  }
0x18b: {  	[tilespmem:s14], [sflag:$0xC] =	stream.indirect.gather [hbm4b:s3+s4], $0x20, s18, s4, $0xb8;
	[tilespmem:$0x1A800] =	vst v63  }
0x18c: {  	_ =	swait.ge [sflag:s6], $0x8000  }
0x18d: {  	[sflag:s6] =	ssyncset.done $0x0  }
0x18e: {  	s26 =	rddreg [dreg:$0x13];
	[sflag:s6] =	ssyncadd.s32 $0xFFFF8000  }
0x18f: {  	[hbm4b:s26+s2] =	stream.linear.scatter [tilespmem:s5], [sflag:$0xE], $0x8000, $0x38;
	[tilespmem:$0x1A800] =	vst v63  }
0x190: {  	_ =	swait.ge [sflag:s9], $0x8000  }
0x191: {  	[sflag:s9] =	ssyncset.done $0x0  }
0x192: {  	[sflag:s9] =	ssyncadd.s32 $0xFFFF8000  }
0x193: {  	_ =	swait.ge [sflag:s19], $0x400  }
0x194: {  	[sflag:s19] =	ssyncset.done $0x0  }
0x195: {  	[sflag:s19] =	ssyncadd.s32 $0xFFFFFC00  }
0x196: {  	[tilespmem:s11], [sflag:$0xD] =	stream.indirect.gather [hbm4b:s3+s4], $0x20, s16, s4, $0xb8;
	[tilespmem:$0x1A800] =	vst v63  }
0x197: {  	_ =	swait.ge [sflag:s15], $0x8000  }
0x198: {  	[sflag:s15] =	ssyncset.done $0x0  }
0x199: {  	s28 =	rddreg [dreg:$0x14];
	[sflag:s15] =	ssyncadd.s32 $0xFFFF8000  }
0x19a: {  	[hbm4b:s28+s2] =	stream.linear.scatter [tilespmem:s14], [sflag:$0xF], $0x8000, $0x38;
	[tilespmem:$0x1A800] =	vst v63  }
0x19b: {  	_ =	swait.ge [sflag:s7], $0x8000  }
0x19c: {  	[sflag:s7] =	ssyncset.done $0x0  }
0x19d: {  	[sflag:s7] =	ssyncadd.s32 $0xFFFF8000  }
0x19e: {  	_ =	swait.ge [sflag:s17], $0x400  }
0x19f: {  	[sflag:s17] =	ssyncset.done $0x0  }
0x1a0: {  	[sflag:s17] =	ssyncadd.s32 $0xFFFFFC00  }
0x1a1: {  	[tilespmem:s5], [sflag:$0xB] =	stream.indirect.gather [hbm4b:s3+s4], $0x20, s13, s4, $0xb8;
	[tilespmem:$0x1A800] =	vst v63  }
0x1a2: {  	_ =	swait.ge [sflag:s12], $0x8000  }
0x1a3: {  	[sflag:s12] =	ssyncset.done $0x0  }
0x1a4: {  	s29 =	rddreg [dreg:$0x15];
	[sflag:s12] =	ssyncadd.s32 $0xFFFF8000  }
0x1a5: {  	[hbm4b:s29+s2] =	stream.linear.scatter [tilespmem:s11], [sflag:$0x10], $0x8000, $0x38;
	[tilespmem:$0x1A800] =	vst v63  }
0x1a6: {  	_ =	swait.ge [sflag:s6], $0x8000  }
0x1a7: {  	[sflag:s6] =	ssyncset.done $0x0  }
0x1a8: {  	s30 =	rddreg [dreg:$0x16];
	[sflag:s6] =	ssyncadd.s32 $0xFFFF8000  }
0x1a9: {  	[hbm4b:s30+s2] =	stream.linear.scatter [tilespmem:s5], [sflag:$0xE], $0x8000, $0x38;
	[tilespmem:$0x1A800] =	vst v63  }
0x1aa: {  	_ =	swait.ge [sflag:s7], $0x8000  }
0x1ab: {  	[sflag:s7] =	ssyncset.done $0x0  }
0x1ac: {  	[sflag:s7] =	ssyncadd.s32 $0xFFFF8000  }
0x1ad: {  	_ =	swait.ge [sflag:s8], $0x8000  }
0x1ae: {  	[sflag:s8] =	ssyncset.done $0x0  }
0x1af: {  	[sflag:s8] =	ssyncadd.s32 $0xFFFF8000  }
0x1b0: {  	_ =	swait.ge [sflag:s9], $0x8000  }
0x1b1: {  	[sflag:s9] =	ssyncset.done $0x0  }
0x1b2: {  	[sflag:s9] =	ssyncadd.s32 $0xFFFF8000  }
0x1b3: {  	_ =	sfence.sel $0x180000  }
0x1b4: {  	[bflag:$0x0] =	sbarrier.arrive $0xFFFF  }
0x1b5: {  	_ =	strace $0x90000047  }
0x1b6: {  	s31 =	stileid.u32;
	[bflag:$0x2] =	sbarrier.arrive $0xFFFF  }
0x1b7: {  	p0 =	sne.s32 s31, $0x0;
	s0 =	rddreg [dreg:$0x2]  }
0x1b8: {  	s0 =	sadd.s32 @!p0 $0x100000, s0  }
0x1b9: {  	[sflag:s0] =	ssyncadd.tile.s32 @!p0 $0x1;
	_ =	shalt  }
.Lfunc_end2:
_tile_overlayer_lowered:
.L_overlay_start_2:
0x1ba: {  	(tag) =	ssettag $0x2  }
0x1bb: {  	s0 =	rddreg [dreg:$0x0];
	s2 =	stileid.u32  }
0x1bc: {  	s1 =	rddreg [dreg:$0x1];
	p0 =	sne.s32 s2, $0x0  }
0x1bd: {  	s3 =	rddreg [dreg:$0x2];
	[bflag:$0x3] =	sbarrier.arrive $0xFFFF;
	s2 =	simm.s32 @!p0 $0x1C11  }
0x1be: {  	[timem:s3], [sflag:s2] =	dma.local @!p0 [hbm:s0], s1  }
0x1bf: {  	s0 =	simm.s32 @!p0 $0x11  }
0x1c0: {  	_ =	swait.ge @!p0 [sflag:s0], s1  }
0x1c1: {  	s1 =	ssub.s32 @!p0 $0x0, s1;
	[sflag:s0] =	ssyncset.done @!p0 $0x0  }
0x1c2: {  	[sflag:s0] =	ssyncadd.s32 @!p0 s1  }
0x1c3: {  	[bflag:$0x3] =	sbarrier.arrive $0xFFFF  }
0x1c4: {  	_ =	shalt  }

// kernel: sparse-core-data-format-call.cloned.1.call-start
scs
called_computation_lowered:
.L_overlay_start_0:
0x0: {  	s2 =	sld [smem:$0x3FD9]  }
0x1: {  	s3 =	sld [smem:$0x3FFE];
	_ =	sdelay $0x1  }
0x2: {  	s1 =	srdreg.scid  }
0x3: {  	s0 =	sand.u32 $0x1, s1  }
0x4: {  	s18 =	sshll.u32 s0, $0xA;
	s2 =	sadd.s32 s3, s2  }
0x5: {  	s2 =	sadd.s32 s2, s18  }
0x6: {  	[smem:$0x3FC6] =	sst s2  }
0x7: {  	_ = 	snop  }
0x8: {  	s2 =	sld [smem:$0x3FD0];
	(tm) =	ssettm $0x1  }
0x9: {  	s19 =	sld [smem:$0x3FFB];
	_ =	sdelay $0x3  }
0xa: {  	_ =	strace s19  }
0xb: {  	s3 =	sld [smem:$0x3FFC];
	_ =	sdelay $0x3  }
0xc: {  	_ =	strace s3  }
0xd: {  	s3 =	sld [smem:$0x3FFD];
	_ =	sdelay $0x3  }
0xe: {  	_ =	strace s3  }
0xf: {  	_ =	strace $0x8FFFFFFF  }
0x10: {  	s20 =	sld [smem:$0x3FDB];
	_ =	sdelay $0x1  }
0x11: {  	s4 =	simm.s32 $_scs_section_size  }
0x12: {  	s5 =	simm.s32 $_size__tile_overlayer_lowered;
	s6 =	simm.s32 $_tile_overlayer_lowered  }
0x13: {  	s23 =	simm.s32 $0x1BFF;
	s22 =	sshll.u32 s6, $0x1;
	s3 =	sadd.s32 s4, s20  }
0x14: {  	s7 =	simm.s32 $0x0;
	s21 =	sshll.u32 s5, $0x1;
	s5 =	sadd.s32 s22, s3  }
0x15: {  	[timem:s7], [sflag:s23] =	dma.local [hbm:s5], s21  }
0x16: {  	_ =	swait.ge [sflag:s23], s21  }
0x17: {  	s4 =	ssub.s32 $0x0, s21;
	[sflag:s23] =	ssyncset.done $0x0  }
0x18: {  	[sflag:s23] =	ssyncadd.s32 s4;
	_ =	sdelay $0x1  }
0x19: {  	s24 =	simm.s32 $0x1B8B  }
0x1a: {  	_ =	swait.ge [sflag:s24], $0x1  }
0x1b: {  	[sflag:s24] =	ssyncset.done $0x0  }
0x1c: {  	s26 =	simm.s32 $0x1B8E;
	s25 =	sld [smem:$0x3FFE];
	[sflag:s24] =	ssyncadd.s32 $0xFFFFFFFF  }
0x1d: {  	s27 =	simm.s32 $execute0_lowered;
	[smem:$0x3FD2] =	sst s26  }
0x1e: {  	s5 =	sshll.u32 s27, $0x1;
	_ =	strace $0x80000049;
	[dreg:$0x1] =	wrdreg $0xFFFFFFFF  }
0x1f: {  	s28 =	simm.s32 $_size_execute0_lowered;
	s3 =	sadd.s32 s3, s5;
	[dreg:$0x0] =	wrdreg $0x0  }
0x20: {  	s5 =	sshll.u32 s28, $0x1;
	[dreg:$0x2] =	wrdreg s3  }
0x21: {  	[dreg:$0x3] =	wrdreg s5  }
0x22: {  	[dreg:$0x4] =	wrdreg $0xC0  }
0x23: {  	_ =	task [dreg:s7], $0x5FFFF  }
0x24: {  	[dreg:$0x1] =	wrdreg $0xFFFFFFFF  }
0x25: {  	[dreg:$0x0] =	wrdreg $0x60  }
0x26: {  	[dreg:$0x2] =	wrdreg s25  }
0x27: {  	[dreg:$0x3] =	wrdreg s2  }
0x28: {  	[dreg:$0x4] =	wrdreg $0x9  }
0x29: {  	_ =	task.clear_ibuf [dreg:s7], $0x5FFFF;
	_ =	strace $0x90000049  }
0x2a: {  	s29 =	simm.s32 $0x9;
	_ =	strace $0x8000004B  }
0x2b: {  	_ =	swait.ge [sflag:s29], $0x1  }
0x2c: {  	[sflag:s29] =	ssyncadd.s32 $0xFFFFFFFF  }
0x2d: {  	_ =	strace $0x9000004B  }
0x2e: {  	_ =	sfence  }
0x2f: {  	s30 =	sld [smem:$0x0];
	_ =	sdelay $0x2  }
0x30: {  	s31 =	sshll.u32 s1, $0xD;
	s1 =	sshrl.u32 s1, $0x2  }
0x31: {  	s3 =	sand.u32 $0x4000, s31;
	s1 =	sadd.s32 s1, s30  }
0x32: {  	s0 =	sor.u32 s3, s0;
	s1 =	sshll.u32 s1, $0x11  }
0x33: {  	s0 =	sor.u32 s1, s0  }
0x34: {  	s0 =	sadd.s32 $0x8F2B, s0  }
0x35: {  	[sflag:s0] =	ssyncadd.remote.s32 $0x1  }
0x36: {  	_ =	sfence.sel $0xFFFF  }
0x37: {  	[dreg:$0x0] =	wrdreg $0xFFFFFFFF;
	(pc) =	sbr.abs _section_cstart, $3  }
0x38: {  	[dreg:$0x1] =	wrdreg $0xFFFFFFFF  }
0x39: {  	_ =	task.clear_ibuf [dreg:s7], $0x2FFFF;
	_ =	strace $0x9FFFFFFF  }
0x3a: {  	(tm) =	ssettm $0x7FFFFFFF  }
0x3b: {  	_ =	shalt  }
tec
execute0_lowered:
.L_overlay_start_1:
0x0: {  	(tag) =	ssettag $0x1  }
0x1: {  	s0 =	srdreg.scid  }
0x2: {  	s1 =	sshll.u32 s0, $0x4  }
0x3: {  	s0 =	stileid.u32;
	s1 =	sand.u32 $0x10, s1  }
0x4: {  	s1 =	sor.u32 s0, s1  }
0x5: {  	s6 =	rddreg [dreg:$0x0];
	s4 =	simm.s32 $0x1;
	s2 =	sshll.u32 s1, $0x7  }
0x6: {  	s7 =	simm.s32 $0x2;
	s12 =	simm.s32 $0x0;
	s1 =	ssub.s32 $0x4000, s2  }
0x7: {  	s8 =	simm.s32 $0x20000;
	s13 =	simm.s32 $0x0;
	s3 =	sand.u32 $0xF80, s1  }
0x8: {  	s9 =	simm.s32 $0x0;
	s5 =	sshrl.u32 s1, $0xC;
	p0 =	sne.s32 s3, $0x0  }
.Ltmp0:
0x9: {  	s1 =	rddreg [dreg:$0x2];
	s4 =	simm.s32 @!p0 $0x0;
	(pc) =	sbr.rel .LBB1_1-.Ltmp0, $4  }
0xa: {  	s11 =	simm.s32 $0x0;
	s3 =	rddreg [dreg:$0x1];
	s5 =	sadd.s32 s4, s5  }
0xb: {  	_ =	strace $0x8000004A;
	s4 =	simm.s32 $0x1;
	s5 =	smul.u32 $0x14, s5  }
0xc: {  	s6 =	sadd.s32 $0xA00, s6;
	s10 =	smov.u32 s2;
	[sflag:s4] =	ssyncpa.u1 $0x0  }
0xd: {  	p0 =	por $0x0, $0x0;
	[sflag:s7] =	ssyncpa.u1 $0x0;
	s7 =	sor.u32 $0x1, s5  }
.LBB1_4:
0xe: {  	s16 =	sshll.u32 s13, $0x3;
	s17 =	sand.u32 $0x78, s13  }
0xf: {  	s30 =	sand.u32 $0xF800, s13;
	s12 =	sshll.u32 s12, $0x10;
	s16 =	sand.u32 $0x3C00, s16  }
0x10: {  	s31 =	sand.u32 $0x7, s13;
	s16 =	sor.u32 s17, s16;
	s17 =	sadd.s32 s3, s30  }
0x11: {  	s13 =	sshll.u32 s31, $0x12;
	s16 =	sshrl.u32 s16, $0x3;
	s12 =	sadd.s32 s12, s17  }
0x12: {  	[tilespmem:s15+$0x0 ss:$0x81] =	vst.msk $0xffff, v0;
	s13 =	sor.u32 $0x400, s13;
	s12 =	sadd.s32 s16, s12  }
0x13: {  	[hbm4b:s12+s13] =	stream.strided.scatter [tilespmem:s14], [sflag:$0x2], $0x1000, s8, s13, $0x20;
	[tilespmem:$0x4040] =	vst v63  }
.LBB1_5:
0x14: {  	s14 =	sadd.s32 $0x1, s9  }
0x15: {  	s12 =	sadd.s32 $0x1000, s10;
	s16 =	smov.u32 s10;
	p2 =	sgt.s32 s14, $0x13  }
0x16: {  	s16 =	smov.u32 @p2 s12  }
0x17: {  	s14 =	simm.s32 @p2 $0x0;
	p2 =	sgt.s32 s16, $0x3FFF  }
0x18: {  	s16 =	smov.u32 @p2 s2;
	p2 =	sne.s32 s11, s7  }
.Ltmp1:
0x19: {  	p1 =	slt.u32 s11, $0x2;
	(pc) =	sbr.rel @!p2 .LBB1_6-.Ltmp1, $4  }
0x1a: {  	s15 =	simm.s32 @!p1 $0x2  }
0x1b: {  	s13 =	smov.u32 s10;
	p0 =	por !p0, !p0;
	_ =	swait.ge @!p1 [sflag:s15], $0x1000  }
0x1c: {  	s12 =	smov.u32 s9;
	[sflag:s15] =	ssyncset.done @!p1 $0x0;
	s9 =	smov.u32 s14  }
0x1d: {  	s11 =	sadd.s32 $0x1, s11;
	[sflag:s15] =	ssyncadd.s32 @!p1 $0xFFFFF000;
	s10 =	smov.u32 s16  }
.LBB1_1:
0x1e: {  	p1 =	sge.u32 s11, s5  }
0x1f: {  	s14 =	sand.u32 @!p1 $0x1FFFFFF, s9  }
0x20: {  	s15 =	smulhi.u32 @!p1 $0xAAAAAAB, s14;
	_ =	sdelay $0x1  }
0x21: {  	s15 =	smul.u32 @!p1 $0x18, s15  }
0x22: {  	s16 =	sxor.u32 @!p1 $0xFFFFFFFF, s11;
	s17 =	smul.u32 @!p1 $0x180, s10  }
0x23: {  	s31 =	sadd.s32 $0xFFFFFFFF, s11;
	s16 =	sshll.u32 @!p1 s16, $0xC;
	s14 =	ssub.s32 @!p1 s14, s15  }
0x24: {  	s15 =	sand.u32 @!p1 $0x1000, s16;
	s16 =	sadd.s32 @!p1 s6, s17;
	s14 =	sshll.u32 @!p1 s14, $0x4  }
0x25: {  	s17 =	simm.s32 @!p1 $0xC00;
	s14 =	sadd.s32 @!p1 s14, s16;
	s16 =	simm.s32 @!p1 $0x20  }
0x26: {  	[tilespmem:s15], [sflag:$0x1] =	stream.strided.gather @!p1 [hbm4b:s14+s16], $0x1000, s17, s16, $0x38;
	[tilespmem:$0x4040] =	vst v63  }
0x27: {  	p1 =	sge.u32 s31, s5  }
.Ltmp2:
0x28: {  	_ = 	snop;
	(pc) =	sbr.rel @p1 .LBB1_5-.Ltmp2, $1  }
0x29: {  	_ =	sdelay $0x3  }
0x2a: {  	s14 =	simm.s32 $0x1  }
0x2b: {  	_ =	swait.ge [sflag:s4], $0x1000;
	s14 =	simm.s32 @!p0 $0x0  }
0x2c: {  	[sflag:s4] =	ssyncset.done $0x0;
	s15 =	sshll.u32 s14, $0xC  }
0x2d: {  	[sflag:s4] =	ssyncadd.s32 $0xFFFFF000;
	s18 =	sor.u32 $0x10, s15  }
0x2e: {  	s14 =	smul.u32 $0x4080, s14;
	v1 =	vld [tilespmem:s18+$0x0]  }
0x2f: {  	s30 =	sand.u32 $0x1, s11;
	v0 =	vld [tilespmem:s18+$0xFFFFFFF0]  }
0x30: {  	s15 =	smul.u32 $0x4080, s30;
	s14 =	sshrl.u32 s14, $0x2  }
0x31: {  	s16 =	sor.u32 $0x2000, s14  }
0x32: {  	s31 =	sshrl.u32 s15, $0x2;
	s15 =	sadd.s32 $0x0, s16  }
0x33: {  	s17 =	simm.s32 $0x4;
	s18 =	sadd.s32 $0x20, s18;
	s14 =	sor.u32 $0x2000, s31;
	[tilespmem:s15+$0x810 ss:$0x81] =	vst.msk $0xffff, v1  }
.LBB1_3:
0x34: {  	v1 =	vld [tilespmem:s18+$0x0];
	p1 =	sne.s32 s17, $0x1FC;
	[tilespmem:s15+$0x0 ss:$0x81] =	vst.msk $0xffff, v0;
	s15 =	smov.u32 s17;
	s17 =	sadd.s32 $0x4, s17  }
.Ltmp3:
0x35: {  	v0 =	vld [tilespmem:s18+$0xFFFFFFF0];
	(pc) =	sbr.rel @p1 .LBB1_3-.Ltmp3, $4  }
0x36: {  	_ = 	snop  }
0x37: {  	s15 =	sshra.s32 s15, $0x2  }
0x38: {  	s15 =	sadd.s32 s15, s16  }
0x39: {  	s18 =	sadd.s32 $0x20, s18;
	[tilespmem:s15+$0x810 ss:$0x81] =	vst.msk $0xffff, v1  }
.Ltmp4:
0x3a: {  	_ = 	snop;
	(pc) =	sbr.rel .LBB1_4-.Ltmp4, $1  }
0x3b: {  	_ =	sdelay $0x3  }
.LBB1_6:
0x3c: {  	_ =	sfence.sel $0x180000  }
0x3d: {  	s2 =	simm.s32 $0x1;
	[bflag:$0x0] =	sbarrier.arrive $0xFFFF  }
0x3e: {  	s31 =	simm.s32 $0x2;
	[sflag:s2] =	ssyncpa.u1 $0x1  }
0x3f: {  	[sflag:s31] =	ssyncpa.u1 $0x1  }
0x40: {  	p0 =	sne.s32 s0, $0x0;
	_ =	strace $0x9000004A  }
0x41: {  	s0 =	sadd.s32 @!p0 $0x100000, s1;
	[bflag:$0x2] =	sbarrier.arrive $0xFFFF  }
0x42: {  	[sflag:s0] =	ssyncadd.tile.s32 @!p0 $0x1;
	_ =	shalt  }
.Lfunc_end1:
_tile_overlayer_lowered:
.L_overlay_start_2:
0x43: {  	(tag) =	ssettag $0x2  }
0x44: {  	s0 =	rddreg [dreg:$0x0];
	s2 =	stileid.u32  }
0x45: {  	s1 =	rddreg [dreg:$0x1];
	p0 =	sne.s32 s2, $0x0  }
0x46: {  	s3 =	rddreg [dreg:$0x2];
	[bflag:$0x3] =	sbarrier.arrive $0xFFFF;
	s2 =	simm.s32 @!p0 $0x1C01  }
0x47: {  	[timem:s3], [sflag:s2] =	dma.local @!p0 [hbm:s0], s1  }
0x48: {  	s0 =	simm.s32 @!p0 $0x1  }
0x49: {  	_ =	swait.ge @!p0 [sflag:s0], s1  }
0x4a: {  	s1 =	ssub.s32 @!p0 $0x0, s1;
	[sflag:s0] =	ssyncset.done @!p0 $0x0  }
0x4b: {  	[sflag:s0] =	ssyncadd.s32 @!p0 s1  }
0x4c: {  	[bflag:$0x3] =	sbarrier.arrive $0xFFFF  }
0x4d: {  	_ =	shalt  }

</sc_bundles>
